<compile_context>
chip_gen: v7x
topology: tpu7x:2x2x1
jax: 0.10.2.dev20260603
libtpu: 0.0.44.dev20260713+nightly
codegen_flags: <defaults>
</compile_context>

<pallas_src>
import jax
import jax.numpy as jnp
from jax import lax
from jax.experimental import pallas as pl
from jax.experimental.pallas import tpu as pltpu
from jax.experimental.pallas import tpu_sc as plsc

_TB = 10
_ROWS_PER_WORKER = 7


def _sc_flip_body(pos_hbm, out_hbm, rowbuf, sem):
    T = pos_hbm.shape[0]
    w = lax.axis_index("s") * 2 + lax.axis_index("c")

    def each_row(fn):
        for k in range(_ROWS_PER_WORKER):
            r = w * _ROWS_PER_WORKER + k

            def _run(k=k, r=r):
                fn(k, r)

            pl.when(r < T)(_run)

    def fire_read(k, r):
        pltpu.async_copy(pos_hbm.at[T - 1 - r], rowbuf.at[k], sem)

    def drain_read(k, r):
        pltpu.make_async_copy(pos_hbm.at[T - 1 - r], rowbuf.at[k], sem).wait()

    def fire_write(k, r):
        pltpu.async_copy(rowbuf.at[k], out_hbm.at[r], sem)

    def drain_write(k, r):
        pltpu.make_async_copy(rowbuf.at[k], out_hbm.at[r], sem).wait()

    each_row(fire_read)
    each_row(drain_read)
    each_row(fire_write)
    each_row(drain_write)


def _tc_add_body(s_ref, p_ref, o_ref):
    jt = pl.program_id(0)
    for k in range(_TB):
        prow = p_ref[jt * _TB + k]
        o_ref[k] = s_ref[k] + jnp.broadcast_to(prow, s_ref.shape[1:])


def kernel(sessions, pos_emb):
    B, T, F = sessions.shape
    st = jnp.transpose(sessions, (1, 2, 0))

    mesh = plsc.VectorSubcoreMesh(core_axis_name="c", subcore_axis_name="s")
    pos_flipped = pl.kernel(
        _sc_flip_body,
        out_type=jax.ShapeDtypeStruct((T, F), jnp.float32),
        mesh=mesh,
        scratch_types=[
            pltpu.VMEM((_ROWS_PER_WORKER, F), jnp.float32),
            pltpu.SemaphoreType.DMA,
        ],
        compiler_params=pltpu.CompilerParams(
            use_tc_tiling_on_sc=True, needs_layout_passes=False
        ),
    )(pos_emb)

    pos3 = pos_flipped[:, :, None]
    out_t = pl.pallas_call(
        _tc_add_body,
        grid=(T // _TB,),
        in_specs=[
            pl.BlockSpec((_TB, F, B), lambda jt: (jt, 0, 0)),
            pl.BlockSpec((T, F, 1), lambda jt: (0, 0, 0)),
        ],
        out_specs=pl.BlockSpec((_TB, F, B), lambda jt: (jt, 0, 0)),
        out_shape=jax.ShapeDtypeStruct((T, F, B), sessions.dtype),
        compiler_params=pltpu.CompilerParams(
            dimension_semantics=("arbitrary",),
            vmem_limit_bytes=100 * 1024 * 1024,
        ),
    )(st, pos3)
    return jnp.transpose(out_t, (2, 0, 1))

# --- scband reference (transcript-rebuilt; emitter-appended) ---
"""Pipeline reference for scband-learnable-inverse-positional-encoding-4595615007483 (READ-ONLY COPY).

The authoritative reference and input builder live on the scoring server;
editing this copy changes nothing except your own understanding.
"""

import jax, jax.numpy as jnp
import numpy as np


def setup_inputs(seed: int = 0) -> dict:
    key = jax.random.key(seed)
    k1, k2 = jax.random.split(key)
    sessions = jax.random.normal(k1, (4096, 200, 64), dtype=jnp.float32)
    pos_emb = jax.random.normal(k2, (200, 64), dtype=jnp.float32) * 0.02
    return {"sessions": sessions, "pos_emb": pos_emb}


def reference(sessions, pos_emb):
    batch_size, session_max_len, n_factors = sessions.shape
    # use_scale_factor=False, so no scaling
    positions = jnp.tile(jnp.arange(session_max_len - 1, -1, -1), (batch_size, 1))
    sessions = sessions + jnp.take(pos_emb, positions, axis=0)
    return sessions

if __name__ == "__main__":
    import jax
    _d = setup_inputs()
    print(jax.jit(kernel)(*tuple(_d.values())))

</pallas_src>

<mosaic_0001>
#map = affine_map<(d0, d1) -> (0, 0)>
module attributes {stable_mosaic.version = 14 : i64} {
  func.func @_sc_flip_body(%arg0: i32, %arg1: i32, %arg2: memref<200x64xf32, #tpu.memory_space<hbm>>, %arg3: memref<200x64xf32, #tpu.memory_space<hbm>>, %arg4: memref<7x64xf32, #tpu.memory_space<vmem>>, %arg5: memref<!tpu.dma_semaphore, #tpu.memory_space<semaphore_mem>>) attributes {dimension_semantics = [#tpu.dimension_semantics<core_parallel>, #tpu.dimension_semantics<subcore_parallel>], iteration_bounds = array<i64: 2, 16>, scalar_prefetch = 0 : i64, scratch_operands = 2 : i64, tpu.core_type = #tpu.core_type<sc_vector_subcore>, window_params = [{transform_indices = #map}, {transform_indices = #map}]} {
    %mul3A = arith.constant 2 : i32
    %mul3A_0 = arith.muli %arg1, %mul3A : i32
    %add3A = arith.addi %mul3A_0, %arg0 : i32
    %mul3A_1 = arith.constant 7 : i32
    %mul3A_2 = arith.muli %add3A, %mul3A_1 : i32
    %add3A_3 = arith.constant 0 : i32
    %add3A_4 = arith.addi %mul3A_2, %add3A_3 : i32
    %lt3A = arith.constant 200 : i32
    %lt3A_5 = arith.cmpi slt, %add3A_4, %lt3A : i32
    %convert_element_type3A = arith.extui %lt3A_5 : i1 to i32
    %cond3A = arith.constant 0 : i32
    %cond3A_6 = arith.cmpi ne, %convert_element_type3A, %cond3A : i32
    scf.if %cond3A_6 {
      %sub3A = arith.constant 199 : i32
      %sub3A_250 = arith.subi %sub3A, %add3A_4 : i32
      %dma_start3A = arith.constant 0 : i32
      %dma_start3A_251 = arith.constant 0 : i32
      %dma_start3A_252 = tpu.memref_slice %arg4[%dma_start3A, %dma_start3A_251] : memref<7x64xf32, #tpu.memory_space<vmem>> -> memref<1x64xf32, #tpu.memory_space<vmem>>
      %dma_start3A_253 = tpu.memref_squeeze %dma_start3A_252 : memref<1x64xf32, #tpu.memory_space<vmem>> -> memref<64xf32, #tpu.memory_space<vmem>>
      %dma_start3A_254 = arith.constant 0 : i32
      %dma_start3A_255 = tpu.memref_slice %arg2[%sub3A_250, %dma_start3A_254] : memref<200x64xf32, #tpu.memory_space<hbm>> -> memref<1x64xf32, #tpu.memory_space<hbm>>
      %dma_start3A_256 = tpu.memref_squeeze %dma_start3A_255 : memref<1x64xf32, #tpu.memory_space<hbm>> -> memref<64xf32, #tpu.memory_space<hbm>>
      %dma_start3A_257 = arith.constant 0 : i32
      %dma_start3A_258 = tpu.memref_slice %arg4[%dma_start3A, %dma_start3A_257] : memref<7x64xf32, #tpu.memory_space<vmem>> -> memref<1x64xf32, #tpu.memory_space<vmem>>
      %dma_start3A_259 = tpu.memref_squeeze %dma_start3A_258 : memref<1x64xf32, #tpu.memory_space<vmem>> -> memref<64xf32, #tpu.memory_space<vmem>>
      %dma_start3A_260 = arith.constant 0 : i32
      %dma_start3A_261 = tpu.memref_slice %arg2[%sub3A_250, %dma_start3A_260] : memref<200x64xf32, #tpu.memory_space<hbm>> -> memref<1x64xf32, #tpu.memory_space<hbm>>
      %dma_start3A_262 = tpu.memref_squeeze %dma_start3A_261 : memref<1x64xf32, #tpu.memory_space<hbm>> -> memref<64xf32, #tpu.memory_space<hbm>>
      tpu.enqueue_dma source(%dma_start3A_262 : memref<64xf32, #tpu.memory_space<hbm>>) target(%dma_start3A_259 : memref<64xf32, #tpu.memory_space<vmem>>) target_semaphore(%arg5 : memref<!tpu.dma_semaphore, #tpu.memory_space<semaphore_mem>>)
    } else {
    }
    %mul3A_7 = arith.constant 7 : i32
    %mul3A_8 = arith.muli %add3A, %mul3A_7 : i32
    %add3A_9 = arith.constant 1 : i32
    %add3A_10 = arith.addi %mul3A_8, %add3A_9 : i32
    %lt3A_11 = arith.constant 200 : i32
    %lt3A_12 = arith.cmpi slt, %add3A_10, %lt3A_11 : i32
    %convert_element_type3A_13 = arith.extui %lt3A_12 : i1 to i32
    %cond3A_14 = arith.constant 0 : i32
    %cond3A_15 = arith.cmpi ne, %convert_element_type3A_13, %cond3A_14 : i32
    scf.if %cond3A_15 {
      %sub3A = arith.constant 199 : i32
      %sub3A_250 = arith.subi %sub3A, %add3A_10 : i32
      %dma_start3A = arith.constant 1 : i32
      %dma_start3A_251 = arith.constant 0 : i32
      %dma_start3A_252 = tpu.memref_slice %arg4[%dma_start3A, %dma_start3A_251] : memref<7x64xf32, #tpu.memory_space<vmem>> -> memref<1x64xf32, #tpu.memory_space<vmem>>
      %dma_start3A_253 = tpu.memref_squeeze %dma_start3A_252 : memref<1x64xf32, #tpu.memory_space<vmem>> -> memref<64xf32, #tpu.memory_space<vmem>>
      %dma_start3A_254 = arith.constant 0 : i32
      %dma_start3A_255 = tpu.memref_slice %arg2[%sub3A_250, %dma_start3A_254] : memref<200x64xf32, #tpu.memory_space<hbm>> -> memref<1x64xf32, #tpu.memory_space<hbm>>
      %dma_start3A_256 = tpu.memref_squeeze %dma_start3A_255 : memref<1x64xf32, #tpu.memory_space<hbm>> -> memref<64xf32, #tpu.memory_space<hbm>>
      %dma_start3A_257 = arith.constant 0 : i32
      %dma_start3A_258 = tpu.memref_slice %arg4[%dma_start3A, %dma_start3A_257] : memref<7x64xf32, #tpu.memory_space<vmem>> -> memref<1x64xf32, #tpu.memory_space<vmem>>
      %dma_start3A_259 = tpu.memref_squeeze %dma_start3A_258 : memref<1x64xf32, #tpu.memory_space<vmem>> -> memref<64xf32, #tpu.memory_space<vmem>>
      %dma_start3A_260 = arith.constant 0 : i32
      %dma_start3A_261 = tpu.memref_slice %arg2[%sub3A_250, %dma_start3A_260] : memref<200x64xf32, #tpu.memory_space<hbm>> -> memref<1x64xf32, #tpu.memory_space<hbm>>
      %dma_start3A_262 = tpu.memref_squeeze %dma_start3A_261 : memref<1x64xf32, #tpu.memory_space<hbm>> -> memref<64xf32, #tpu.memory_space<hbm>>
      tpu.enqueue_dma source(%dma_start3A_262 : memref<64xf32, #tpu.memory_space<hbm>>) target(%dma_start3A_259 : memref<64xf32, #tpu.memory_space<vmem>>) target_semaphore(%arg5 : memref<!tpu.dma_semaphore, #tpu.memory_space<semaphore_mem>>)
    } else {
    }
    %mul3A_16 = arith.constant 7 : i32
    %mul3A_17 = arith.muli %add3A, %mul3A_16 : i32
    %add3A_18 = arith.constant 2 : i32
    %add3A_19 = arith.addi %mul3A_17, %add3A_18 : i32
    %lt3A_20 = arith.constant 200 : i32
    %lt3A_21 = arith.cmpi slt, %add3A_19, %lt3A_20 : i32
    %convert_element_type3A_22 = arith.extui %lt3A_21 : i1 to i32
    %cond3A_23 = arith.constant 0 : i32
    %cond3A_24 = arith.cmpi ne, %convert_element_type3A_22, %cond3A_23 : i32
    scf.if %cond3A_24 {
      %sub3A = arith.constant 199 : i32
      %sub3A_250 = arith.subi %sub3A, %add3A_19 : i32
      %dma_start3A = arith.constant 2 : i32
      %dma_start3A_251 = arith.constant 0 : i32
      %dma_start3A_252 = tpu.memref_slice %arg4[%dma_start3A, %dma_start3A_251] : memref<7x64xf32, #tpu.memory_space<vmem>> -> memref<1x64xf32, #tpu.memory_space<vmem>>
      %dma_start3A_253 = tpu.memref_squeeze %dma_start3A_252 : memref<1x64xf32, #tpu.memory_space<vmem>> -> memref<64xf32, #tpu.memory_space<vmem>>
      %dma_start3A_254 = arith.constant 0 : i32
      %dma_start3A_255 = tpu.memref_slice %arg2[%sub3A_250, %dma_start3A_254] : memref<200x64xf32, #tpu.memory_space<hbm>> -> memref<1x64xf32, #tpu.memory_space<hbm>>
      %dma_start3A_256 = tpu.memref_squeeze %dma_start3A_255 : memref<1x64xf32, #tpu.memory_space<hbm>> -> memref<64xf32, #tpu.memory_space<hbm>>
      %dma_start3A_257 = arith.constant 0 : i32
      %dma_start3A_258 = tpu.memref_slice %arg4[%dma_start3A, %dma_start3A_257] : memref<7x64xf32, #tpu.memory_space<vmem>> -> memref<1x64xf32, #tpu.memory_space<vmem>>
      %dma_start3A_259 = tpu.memref_squeeze %dma_start3A_258 : memref<1x64xf32, #tpu.memory_space<vmem>> -> memref<64xf32, #tpu.memory_space<vmem>>
      %dma_start3A_260 = arith.constant 0 : i32
      %dma_start3A_261 = tpu.memref_slice %arg2[%sub3A_250, %dma_start3A_260] : memref<200x64xf32, #tpu.memory_space<hbm>> -> memref<1x64xf32, #tpu.memory_space<hbm>>
      %dma_start3A_262 = tpu.memref_squeeze %dma_start3A_261 : memref<1x64xf32, #tpu.memory_space<hbm>> -> memref<64xf32, #tpu.memory_space<hbm>>
      tpu.enqueue_dma source(%dma_start3A_262 : memref<64xf32, #tpu.memory_space<hbm>>) target(%dma_start3A_259 : memref<64xf32, #tpu.memory_space<vmem>>) target_semaphore(%arg5 : memref<!tpu.dma_semaphore, #tpu.memory_space<semaphore_mem>>)
    } else {
    }
    %mul3A_25 = arith.constant 7 : i32
    %mul3A_26 = arith.muli %add3A, %mul3A_25 : i32
    %add3A_27 = arith.constant 3 : i32
    %add3A_28 = arith.addi %mul3A_26, %add3A_27 : i32
    %lt3A_29 = arith.constant 200 : i32
    %lt3A_30 = arith.cmpi slt, %add3A_28, %lt3A_29 : i32
    %convert_element_type3A_31 = arith.extui %lt3A_30 : i1 to i32
    %cond3A_32 = arith.constant 0 : i32
    %cond3A_33 = arith.cmpi ne, %convert_element_type3A_31, %cond3A_32 : i32
    scf.if %cond3A_33 {
      %sub3A = arith.constant 199 : i32
      %sub3A_250 = arith.subi %sub3A, %add3A_28 : i32
      %dma_start3A = arith.constant 3 : i32
      %dma_start3A_251 = arith.constant 0 : i32
      %dma_start3A_252 = tpu.memref_slice %arg4[%dma_start3A, %dma_start3A_251] : memref<7x64xf32, #tpu.memory_space<vmem>> -> memref<1x64xf32, #tpu.memory_space<vmem>>
      %dma_start3A_253 = tpu.memref_squeeze %dma_start3A_252 : memref<1x64xf32, #tpu.memory_space<vmem>> -> memref<64xf32, #tpu.memory_space<vmem>>
      %dma_start3A_254 = arith.constant 0 : i32
      %dma_start3A_255 = tpu.memref_slice %arg2[%sub3A_250, %dma_start3A_254] : memref<200x64xf32, #tpu.memory_space<hbm>> -> memref<1x64xf32, #tpu.memory_space<hbm>>
      %dma_start3A_256 = tpu.memref_squeeze %dma_start3A_255 : memref<1x64xf32, #tpu.memory_space<hbm>> -> memref<64xf32, #tpu.memory_space<hbm>>
      %dma_start3A_257 = arith.constant 0 : i32
      %dma_start3A_258 = tpu.memref_slice %arg4[%dma_start3A, %dma_start3A_257] : memref<7x64xf32, #tpu.memory_space<vmem>> -> memref<1x64xf32, #tpu.memory_space<vmem>>
      %dma_start3A_259 = tpu.memref_squeeze %dma_start3A_258 : memref<1x64xf32, #tpu.memory_space<vmem>> -> memref<64xf32, #tpu.memory_space<vmem>>
      %dma_start3A_260 = arith.constant 0 : i32
      %dma_start3A_261 = tpu.memref_slice %arg2[%sub3A_250, %dma_start3A_260] : memref<200x64xf32, #tpu.memory_space<hbm>> -> memref<1x64xf32, #tpu.memory_space<hbm>>
      %dma_start3A_262 = tpu.memref_squeeze %dma_start3A_261 : memref<1x64xf32, #tpu.memory_space<hbm>> -> memref<64xf32, #tpu.memory_space<hbm>>
      tpu.enqueue_dma source(%dma_start3A_262 : memref<64xf32, #tpu.memory_space<hbm>>) target(%dma_start3A_259 : memref<64xf32, #tpu.memory_space<vmem>>) target_semaphore(%arg5 : memref<!tpu.dma_semaphore, #tpu.memory_space<semaphore_mem>>)
    } else {
    }
    %mul3A_34 = arith.constant 7 : i32
    %mul3A_35 = arith.muli %add3A, %mul3A_34 : i32
    %add3A_36 = arith.constant 4 : i32
    %add3A_37 = arith.addi %mul3A_35, %add3A_36 : i32
    %lt3A_38 = arith.constant 200 : i32
    %lt3A_39 = arith.cmpi slt, %add3A_37, %lt3A_38 : i32
    %convert_element_type3A_40 = arith.extui %lt3A_39 : i1 to i32
    %cond3A_41 = arith.constant 0 : i32
    %cond3A_42 = arith.cmpi ne, %convert_element_type3A_40, %cond3A_41 : i32
    scf.if %cond3A_42 {
      %sub3A = arith.constant 199 : i32
      %sub3A_250 = arith.subi %sub3A, %add3A_37 : i32
      %dma_start3A = arith.constant 4 : i32
      %dma_start3A_251 = arith.constant 0 : i32
      %dma_start3A_252 = tpu.memref_slice %arg4[%dma_start3A, %dma_start3A_251] : memref<7x64xf32, #tpu.memory_space<vmem>> -> memref<1x64xf32, #tpu.memory_space<vmem>>
      %dma_start3A_253 = tpu.memref_squeeze %dma_start3A_252 : memref<1x64xf32, #tpu.memory_space<vmem>> -> memref<64xf32, #tpu.memory_space<vmem>>
      %dma_start3A_254 = arith.constant 0 : i32
      %dma_start3A_255 = tpu.memref_slice %arg2[%sub3A_250, %dma_start3A_254] : memref<200x64xf32, #tpu.memory_space<hbm>> -> memref<1x64xf32, #tpu.memory_space<hbm>>
      %dma_start3A_256 = tpu.memref_squeeze %dma_start3A_255 : memref<1x64xf32, #tpu.memory_space<hbm>> -> memref<64xf32, #tpu.memory_space<hbm>>
      %dma_start3A_257 = arith.constant 0 : i32
      %dma_start3A_258 = tpu.memref_slice %arg4[%dma_start3A, %dma_start3A_257] : memref<7x64xf32, #tpu.memory_space<vmem>> -> memref<1x64xf32, #tpu.memory_space<vmem>>
      %dma_start3A_259 = tpu.memref_squeeze %dma_start3A_258 : memref<1x64xf32, #tpu.memory_space<vmem>> -> memref<64xf32, #tpu.memory_space<vmem>>
      %dma_start3A_260 = arith.constant 0 : i32
      %dma_start3A_261 = tpu.memref_slice %arg2[%sub3A_250, %dma_start3A_260] : memref<200x64xf32, #tpu.memory_space<hbm>> -> memref<1x64xf32, #tpu.memory_space<hbm>>
      %dma_start3A_262 = tpu.memref_squeeze %dma_start3A_261 : memref<1x64xf32, #tpu.memory_space<hbm>> -> memref<64xf32, #tpu.memory_space<hbm>>
      tpu.enqueue_dma source(%dma_start3A_262 : memref<64xf32, #tpu.memory_space<hbm>>) target(%dma_start3A_259 : memref<64xf32, #tpu.memory_space<vmem>>) target_semaphore(%arg5 : memref<!tpu.dma_semaphore, #tpu.memory_space<semaphore_mem>>)
    } else {
    }
    %mul3A_43 = arith.constant 7 : i32
    %mul3A_44 = arith.muli %add3A, %mul3A_43 : i32
    %add3A_45 = arith.constant 5 : i32
    %add3A_46 = arith.addi %mul3A_44, %add3A_45 : i32
    %lt3A_47 = arith.constant 200 : i32
    %lt3A_48 = arith.cmpi slt, %add3A_46, %lt3A_47 : i32
    %convert_element_type3A_49 = arith.extui %lt3A_48 : i1 to i32
    %cond3A_50 = arith.constant 0 : i32
    %cond3A_51 = arith.cmpi ne, %convert_element_type3A_49, %cond3A_50 : i32
    scf.if %cond3A_51 {
      %sub3A = arith.constant 199 : i32
      %sub3A_250 = arith.subi %sub3A, %add3A_46 : i32
      %dma_start3A = arith.constant 5 : i32
      %dma_start3A_251 = arith.constant 0 : i32
      %dma_start3A_252 = tpu.memref_slice %arg4[%dma_start3A, %dma_start3A_251] : memref<7x64xf32, #tpu.memory_space<vmem>> -> memref<1x64xf32, #tpu.memory_space<vmem>>
      %dma_start3A_253 = tpu.memref_squeeze %dma_start3A_252 : memref<1x64xf32, #tpu.memory_space<vmem>> -> memref<64xf32, #tpu.memory_space<vmem>>
      %dma_start3A_254 = arith.constant 0 : i32
      %dma_start3A_255 = tpu.memref_slice %arg2[%sub3A_250, %dma_start3A_254] : memref<200x64xf32, #tpu.memory_space<hbm>> -> memref<1x64xf32, #tpu.memory_space<hbm>>
      %dma_start3A_256 = tpu.memref_squeeze %dma_start3A_255 : memref<1x64xf32, #tpu.memory_space<hbm>> -> memref<64xf32, #tpu.memory_space<hbm>>
      %dma_start3A_257 = arith.constant 0 : i32
      %dma_start3A_258 = tpu.memref_slice %arg4[%dma_start3A, %dma_start3A_257] : memref<7x64xf32, #tpu.memory_space<vmem>> -> memref<1x64xf32, #tpu.memory_space<vmem>>
      %dma_start3A_259 = tpu.memref_squeeze %dma_start3A_258 : memref<1x64xf32, #tpu.memory_space<vmem>> -> memref<64xf32, #tpu.memory_space<vmem>>
      %dma_start3A_260 = arith.constant 0 : i32
      %dma_start3A_261 = tpu.memref_slice %arg2[%sub3A_250, %dma_start3A_260] : memref<200x64xf32, #tpu.memory_space<hbm>> -> memref<1x64xf32, #tpu.memory_space<hbm>>
      %dma_start3A_262 = tpu.memref_squeeze %dma_start3A_261 : memref<1x64xf32, #tpu.memory_space<hbm>> -> memref<64xf32, #tpu.memory_space<hbm>>
      tpu.enqueue_dma source(%dma_start3A_262 : memref<64xf32, #tpu.memory_space<hbm>>) target(%dma_start3A_259 : memref<64xf32, #tpu.memory_space<vmem>>) target_semaphore(%arg5 : memref<!tpu.dma_semaphore, #tpu.memory_space<semaphore_mem>>)
    } else {
    }
    %mul3A_52 = arith.constant 7 : i32
    %mul3A_53 = arith.muli %add3A, %mul3A_52 : i32
    %add3A_54 = arith.constant 6 : i32
    %add3A_55 = arith.addi %mul3A_53, %add3A_54 : i32
    %lt3A_56 = arith.constant 200 : i32
    %lt3A_57 = arith.cmpi slt, %add3A_55, %lt3A_56 : i32
    %convert_element_type3A_58 = arith.extui %lt3A_57 : i1 to i32
    %cond3A_59 = arith.constant 0 : i32
    %cond3A_60 = arith.cmpi ne, %convert_element_type3A_58, %cond3A_59 : i32
    scf.if %cond3A_60 {
      %sub3A = arith.constant 199 : i32
      %sub3A_250 = arith.subi %sub3A, %add3A_55 : i32
      %dma_start3A = arith.constant 6 : i32
      %dma_start3A_251 = arith.constant 0 : i32
      %dma_start3A_252 = tpu.memref_slice %arg4[%dma_start3A, %dma_start3A_251] : memref<7x64xf32, #tpu.memory_space<vmem>> -> memref<1x64xf32, #tpu.memory_space<vmem>>
      %dma_start3A_253 = tpu.memref_squeeze %dma_start3A_252 : memref<1x64xf32, #tpu.memory_space<vmem>> -> memref<64xf32, #tpu.memory_space<vmem>>
      %dma_start3A_254 = arith.constant 0 : i32
      %dma_start3A_255 = tpu.memref_slice %arg2[%sub3A_250, %dma_start3A_254] : memref<200x64xf32, #tpu.memory_space<hbm>> -> memref<1x64xf32, #tpu.memory_space<hbm>>
      %dma_start3A_256 = tpu.memref_squeeze %dma_start3A_255 : memref<1x64xf32, #tpu.memory_space<hbm>> -> memref<64xf32, #tpu.memory_space<hbm>>
      %dma_start3A_257 = arith.constant 0 : i32
      %dma_start3A_258 = tpu.memref_slice %arg4[%dma_start3A, %dma_start3A_257] : memref<7x64xf32, #tpu.memory_space<vmem>> -> memref<1x64xf32, #tpu.memory_space<vmem>>
      %dma_start3A_259 = tpu.memref_squeeze %dma_start3A_258 : memref<1x64xf32, #tpu.memory_space<vmem>> -> memref<64xf32, #tpu.memory_space<vmem>>
      %dma_start3A_260 = arith.constant 0 : i32
      %dma_start3A_261 = tpu.memref_slice %arg2[%sub3A_250, %dma_start3A_260] : memref<200x64xf32, #tpu.memory_space<hbm>> -> memref<1x64xf32, #tpu.memory_space<hbm>>
      %dma_start3A_262 = tpu.memref_squeeze %dma_start3A_261 : memref<1x64xf32, #tpu.memory_space<hbm>> -> memref<64xf32, #tpu.memory_space<hbm>>
      tpu.enqueue_dma source(%dma_start3A_262 : memref<64xf32, #tpu.memory_space<hbm>>) target(%dma_start3A_259 : memref<64xf32, #tpu.memory_space<vmem>>) target_semaphore(%arg5 : memref<!tpu.dma_semaphore, #tpu.memory_space<semaphore_mem>>)
    } else {
    }
    %mul3A_61 = arith.constant 7 : i32
    %mul3A_62 = arith.muli %add3A, %mul3A_61 : i32
    %add3A_63 = arith.constant 0 : i32
    %add3A_64 = arith.addi %mul3A_62, %add3A_63 : i32
    %lt3A_65 = arith.constant 200 : i32
    %lt3A_66 = arith.cmpi slt, %add3A_64, %lt3A_65 : i32
    %convert_element_type3A_67 = arith.extui %lt3A_66 : i1 to i32
    %cond3A_68 = arith.constant 0 : i32
    %cond3A_69 = arith.cmpi ne, %convert_element_type3A_67, %cond3A_68 : i32
    scf.if %cond3A_69 {
      %sub3A = arith.constant 199 : i32
      %sub3A_250 = arith.subi %sub3A, %add3A_64 : i32
      %dma_wait3A = arith.constant 0 : i32
      %dma_wait3A_251 = arith.constant 0 : i32
      %dma_wait3A_252 = tpu.memref_slice %arg4[%dma_wait3A, %dma_wait3A_251] : memref<7x64xf32, #tpu.memory_space<vmem>> -> memref<1x64xf32, #tpu.memory_space<vmem>>
      %dma_wait3A_253 = tpu.memref_squeeze %dma_wait3A_252 : memref<1x64xf32, #tpu.memory_space<vmem>> -> memref<64xf32, #tpu.memory_space<vmem>>
      %dma_wait3A_254 = arith.constant 0 : i32
      %dma_wait3A_255 = tpu.memref_slice %arg2[%sub3A_250, %dma_wait3A_254] : memref<200x64xf32, #tpu.memory_space<hbm>> -> memref<1x64xf32, #tpu.memory_space<hbm>>
      %dma_wait3A_256 = tpu.memref_squeeze %dma_wait3A_255 : memref<1x64xf32, #tpu.memory_space<hbm>> -> memref<64xf32, #tpu.memory_space<hbm>>
      %dma_wait3A_257 = arith.constant 0 : i32
      %dma_wait3A_258 = tpu.memref_slice %arg4[%dma_wait3A, %dma_wait3A_257] : memref<7x64xf32, #tpu.memory_space<vmem>> -> memref<1x64xf32, #tpu.memory_space<vmem>>
      %dma_wait3A_259 = tpu.memref_squeeze %dma_wait3A_258 : memref<1x64xf32, #tpu.memory_space<vmem>> -> memref<64xf32, #tpu.memory_space<vmem>>
      %dma_wait3A_260 = arith.constant 0 : i32
      %dma_wait3A_261 = tpu.memref_slice %arg2[%sub3A_250, %dma_wait3A_260] : memref<200x64xf32, #tpu.memory_space<hbm>> -> memref<1x64xf32, #tpu.memory_space<hbm>>
      %dma_wait3A_262 = tpu.memref_squeeze %dma_wait3A_261 : memref<1x64xf32, #tpu.memory_space<hbm>> -> memref<64xf32, #tpu.memory_space<hbm>>
      tpu.wait_dma2 semaphore(%arg5 : memref<!tpu.dma_semaphore, #tpu.memory_space<semaphore_mem>>) src(%dma_wait3A_262 : memref<64xf32, #tpu.memory_space<hbm>>) dst(%dma_wait3A_259 : memref<64xf32, #tpu.memory_space<vmem>>)
    } else {
    }
    %mul3A_70 = arith.constant 7 : i32
    %mul3A_71 = arith.muli %add3A, %mul3A_70 : i32
    %add3A_72 = arith.constant 1 : i32
    %add3A_73 = arith.addi %mul3A_71, %add3A_72 : i32
    %lt3A_74 = arith.constant 200 : i32
    %lt3A_75 = arith.cmpi slt, %add3A_73, %lt3A_74 : i32
    %convert_element_type3A_76 = arith.extui %lt3A_75 : i1 to i32
    %cond3A_77 = arith.constant 0 : i32
    %cond3A_78 = arith.cmpi ne, %convert_element_type3A_76, %cond3A_77 : i32
    scf.if %cond3A_78 {
      %sub3A = arith.constant 199 : i32
      %sub3A_250 = arith.subi %sub3A, %add3A_73 : i32
      %dma_wait3A = arith.constant 1 : i32
      %dma_wait3A_251 = arith.constant 0 : i32
      %dma_wait3A_252 = tpu.memref_slice %arg4[%dma_wait3A, %dma_wait3A_251] : memref<7x64xf32, #tpu.memory_space<vmem>> -> memref<1x64xf32, #tpu.memory_space<vmem>>
      %dma_wait3A_253 = tpu.memref_squeeze %dma_wait3A_252 : memref<1x64xf32, #tpu.memory_space<vmem>> -> memref<64xf32, #tpu.memory_space<vmem>>
      %dma_wait3A_254 = arith.constant 0 : i32
      %dma_wait3A_255 = tpu.memref_slice %arg2[%sub3A_250, %dma_wait3A_254] : memref<200x64xf32, #tpu.memory_space<hbm>> -> memref<1x64xf32, #tpu.memory_space<hbm>>
      %dma_wait3A_256 = tpu.memref_squeeze %dma_wait3A_255 : memref<1x64xf32, #tpu.memory_space<hbm>> -> memref<64xf32, #tpu.memory_space<hbm>>
      %dma_wait3A_257 = arith.constant 0 : i32
      %dma_wait3A_258 = tpu.memref_slice %arg4[%dma_wait3A, %dma_wait3A_257] : memref<7x64xf32, #tpu.memory_space<vmem>> -> memref<1x64xf32, #tpu.memory_space<vmem>>
      %dma_wait3A_259 = tpu.memref_squeeze %dma_wait3A_258 : memref<1x64xf32, #tpu.memory_space<vmem>> -> memref<64xf32, #tpu.memory_space<vmem>>
      %dma_wait3A_260 = arith.constant 0 : i32
      %dma_wait3A_261 = tpu.memref_slice %arg2[%sub3A_250, %dma_wait3A_260] : memref<200x64xf32, #tpu.memory_space<hbm>> -> memref<1x64xf32, #tpu.memory_space<hbm>>
      %dma_wait3A_262 = tpu.memref_squeeze %dma_wait3A_261 : memref<1x64xf32, #tpu.memory_space<hbm>> -> memref<64xf32, #tpu.memory_space<hbm>>
      tpu.wait_dma2 semaphore(%arg5 : memref<!tpu.dma_semaphore, #tpu.memory_space<semaphore_mem>>) src(%dma_wait3A_262 : memref<64xf32, #tpu.memory_space<hbm>>) dst(%dma_wait3A_259 : memref<64xf32, #tpu.memory_space<vmem>>)
    } else {
    }
    %mul3A_79 = arith.constant 7 : i32
    %mul3A_80 = arith.muli %add3A, %mul3A_79 : i32
    %add3A_81 = arith.constant 2 : i32
    %add3A_82 = arith.addi %mul3A_80, %add3A_81 : i32
    %lt3A_83 = arith.constant 200 : i32
    %lt3A_84 = arith.cmpi slt, %add3A_82, %lt3A_83 : i32
    %convert_element_type3A_85 = arith.extui %lt3A_84 : i1 to i32
    %cond3A_86 = arith.constant 0 : i32
    %cond3A_87 = arith.cmpi ne, %convert_element_type3A_85, %cond3A_86 : i32
    scf.if %cond3A_87 {
      %sub3A = arith.constant 199 : i32
      %sub3A_250 = arith.subi %sub3A, %add3A_82 : i32
      %dma_wait3A = arith.constant 2 : i32
      %dma_wait3A_251 = arith.constant 0 : i32
      %dma_wait3A_252 = tpu.memref_slice %arg4[%dma_wait3A, %dma_wait3A_251] : memref<7x64xf32, #tpu.memory_space<vmem>> -> memref<1x64xf32, #tpu.memory_space<vmem>>
      %dma_wait3A_253 = tpu.memref_squeeze %dma_wait3A_252 : memref<1x64xf32, #tpu.memory_space<vmem>> -> memref<64xf32, #tpu.memory_space<vmem>>
      %dma_wait3A_254 = arith.constant 0 : i32
      %dma_wait3A_255 = tpu.memref_slice %arg2[%sub3A_250, %dma_wait3A_254] : memref<200x64xf32, #tpu.memory_space<hbm>> -> memref<1x64xf32, #tpu.memory_space<hbm>>
      %dma_wait3A_256 = tpu.memref_squeeze %dma_wait3A_255 : memref<1x64xf32, #tpu.memory_space<hbm>> -> memref<64xf32, #tpu.memory_space<hbm>>
      %dma_wait3A_257 = arith.constant 0 : i32
      %dma_wait3A_258 = tpu.memref_slice %arg4[%dma_wait3A, %dma_wait3A_257] : memref<7x64xf32, #tpu.memory_space<vmem>> -> memref<1x64xf32, #tpu.memory_space<vmem>>
      %dma_wait3A_259 = tpu.memref_squeeze %dma_wait3A_258 : memref<1x64xf32, #tpu.memory_space<vmem>> -> memref<64xf32, #tpu.memory_space<vmem>>
      %dma_wait3A_260 = arith.constant 0 : i32
      %dma_wait3A_261 = tpu.memref_slice %arg2[%sub3A_250, %dma_wait3A_260] : memref<200x64xf32, #tpu.memory_space<hbm>> -> memref<1x64xf32, #tpu.memory_space<hbm>>
      %dma_wait3A_262 = tpu.memref_squeeze %dma_wait3A_261 : memref<1x64xf32, #tpu.memory_space<hbm>> -> memref<64xf32, #tpu.memory_space<hbm>>
      tpu.wait_dma2 semaphore(%arg5 : memref<!tpu.dma_semaphore, #tpu.memory_space<semaphore_mem>>) src(%dma_wait3A_262 : memref<64xf32, #tpu.memory_space<hbm>>) dst(%dma_wait3A_259 : memref<64xf32, #tpu.memory_space<vmem>>)
    } else {
    }
    %mul3A_88 = arith.constant 7 : i32
    %mul3A_89 = arith.muli %add3A, %mul3A_88 : i32
    %add3A_90 = arith.constant 3 : i32
    %add3A_91 = arith.addi %mul3A_89, %add3A_90 : i32
    %lt3A_92 = arith.constant 200 : i32
    %lt3A_93 = arith.cmpi slt, %add3A_91, %lt3A_92 : i32
    %convert_element_type3A_94 = arith.extui %lt3A_93 : i1 to i32
    %cond3A_95 = arith.constant 0 : i32
    %cond3A_96 = arith.cmpi ne, %convert_element_type3A_94, %cond3A_95 : i32
    scf.if %cond3A_96 {
      %sub3A = arith.constant 199 : i32
      %sub3A_250 = arith.subi %sub3A, %add3A_91 : i32
      %dma_wait3A = arith.constant 3 : i32
      %dma_wait3A_251 = arith.constant 0 : i32
      %dma_wait3A_252 = tpu.memref_slice %arg4[%dma_wait3A, %dma_wait3A_251] : memref<7x64xf32, #tpu.memory_space<vmem>> -> memref<1x64xf32, #tpu.memory_space<vmem>>
      %dma_wait3A_253 = tpu.memref_squeeze %dma_wait3A_252 : memref<1x64xf32, #tpu.memory_space<vmem>> -> memref<64xf32, #tpu.memory_space<vmem>>
      %dma_wait3A_254 = arith.constant 0 : i32
      %dma_wait3A_255 = tpu.memref_slice %arg2[%sub3A_250, %dma_wait3A_254] : memref<200x64xf32, #tpu.memory_space<hbm>> -> memref<1x64xf32, #tpu.memory_space<hbm>>
      %dma_wait3A_256 = tpu.memref_squeeze %dma_wait3A_255 : memref<1x64xf32, #tpu.memory_space<hbm>> -> memref<64xf32, #tpu.memory_space<hbm>>
      %dma_wait3A_257 = arith.constant 0 : i32
      %dma_wait3A_258 = tpu.memref_slice %arg4[%dma_wait3A, %dma_wait3A_257] : memref<7x64xf32, #tpu.memory_space<vmem>> -> memref<1x64xf32, #tpu.memory_space<vmem>>
      %dma_wait3A_259 = tpu.memref_squeeze %dma_wait3A_258 : memref<1x64xf32, #tpu.memory_space<vmem>> -> memref<64xf32, #tpu.memory_space<vmem>>
      %dma_wait3A_260 = arith.constant 0 : i32
      %dma_wait3A_261 = tpu.memref_slice %arg2[%sub3A_250, %dma_wait3A_260] : memref<200x64xf32, #tpu.memory_space<hbm>> -> memref<1x64xf32, #tpu.memory_space<hbm>>
      %dma_wait3A_262 = tpu.memref_squeeze %dma_wait3A_261 : memref<1x64xf32, #tpu.memory_space<hbm>> -> memref<64xf32, #tpu.memory_space<hbm>>
      tpu.wait_dma2 semaphore(%arg5 : memref<!tpu.dma_semaphore, #tpu.memory_space<semaphore_mem>>) src(%dma_wait3A_262 : memref<64xf32, #tpu.memory_space<hbm>>) dst(%dma_wait3A_259 : memref<64xf32, #tpu.memory_space<vmem>>)
    } else {
    }
    %mul3A_97 = arith.constant 7 : i32
    %mul3A_98 = arith.muli %add3A, %mul3A_97 : i32
    %add3A_99 = arith.constant 4 : i32
    %add3A_100 = arith.addi %mul3A_98, %add3A_99 : i32
    %lt3A_101 = arith.constant 200 : i32
    %lt3A_102 = arith.cmpi slt, %add3A_100, %lt3A_101 : i32
    %convert_element_type3A_103 = arith.extui %lt3A_102 : i1 to i32
    %cond3A_104 = arith.constant 0 : i32
    %cond3A_105 = arith.cmpi ne, %convert_element_type3A_103, %cond3A_104 : i32
    scf.if %cond3A_105 {
      %sub3A = arith.constant 199 : i32
      %sub3A_250 = arith.subi %sub3A, %add3A_100 : i32
      %dma_wait3A = arith.constant 4 : i32
      %dma_wait3A_251 = arith.constant 0 : i32
      %dma_wait3A_252 = tpu.memref_slice %arg4[%dma_wait3A, %dma_wait3A_251] : memref<7x64xf32, #tpu.memory_space<vmem>> -> memref<1x64xf32, #tpu.memory_space<vmem>>
      %dma_wait3A_253 = tpu.memref_squeeze %dma_wait3A_252 : memref<1x64xf32, #tpu.memory_space<vmem>> -> memref<64xf32, #tpu.memory_space<vmem>>
      %dma_wait3A_254 = arith.constant 0 : i32
      %dma_wait3A_255 = tpu.memref_slice %arg2[%sub3A_250, %dma_wait3A_254] : memref<200x64xf32, #tpu.memory_space<hbm>> -> memref<1x64xf32, #tpu.memory_space<hbm>>
      %dma_wait3A_256 = tpu.memref_squeeze %dma_wait3A_255 : memref<1x64xf32, #tpu.memory_space<hbm>> -> memref<64xf32, #tpu.memory_space<hbm>>
      %dma_wait3A_257 = arith.constant 0 : i32
      %dma_wait3A_258 = tpu.memref_slice %arg4[%dma_wait3A, %dma_wait3A_257] : memref<7x64xf32, #tpu.memory_space<vmem>> -> memref<1x64xf32, #tpu.memory_space<vmem>>
      %dma_wait3A_259 = tpu.memref_squeeze %dma_wait3A_258 : memref<1x64xf32, #tpu.memory_space<vmem>> -> memref<64xf32, #tpu.memory_space<vmem>>
      %dma_wait3A_260 = arith.constant 0 : i32
      %dma_wait3A_261 = tpu.memref_slice %arg2[%sub3A_250, %dma_wait3A_260] : memref<200x64xf32, #tpu.memory_space<hbm>> -> memref<1x64xf32, #tpu.memory_space<hbm>>
      %dma_wait3A_262 = tpu.memref_squeeze %dma_wait3A_261 : memref<1x64xf32, #tpu.memory_space<hbm>> -> memref<64xf32, #tpu.memory_space<hbm>>
      tpu.wait_dma2 semaphore(%arg5 : memref<!tpu.dma_semaphore, #tpu.memory_space<semaphore_mem>>) src(%dma_wait3A_262 : memref<64xf32, #tpu.memory_space<hbm>>) dst(%dma_wait3A_259 : memref<64xf32, #tpu.memory_space<vmem>>)
    } else {
    }
    %mul3A_106 = arith.constant 7 : i32
    %mul3A_107 = arith.muli %add3A, %mul3A_106 : i32
    %add3A_108 = arith.constant 5 : i32
    %add3A_109 = arith.addi %mul3A_107, %add3A_108 : i32
    %lt3A_110 = arith.constant 200 : i32
    %lt3A_111 = arith.cmpi slt, %add3A_109, %lt3A_110 : i32
    %convert_element_type3A_112 = arith.extui %lt3A_111 : i1 to i32
    %cond3A_113 = arith.constant 0 : i32
    %cond3A_114 = arith.cmpi ne, %convert_element_type3A_112, %cond3A_113 : i32
    scf.if %cond3A_114 {
      %sub3A = arith.constant 199 : i32
      %sub3A_250 = arith.subi %sub3A, %add3A_109 : i32
      %dma_wait3A = arith.constant 5 : i32
      %dma_wait3A_251 = arith.constant 0 : i32
      %dma_wait3A_252 = tpu.memref_slice %arg4[%dma_wait3A, %dma_wait3A_251] : memref<7x64xf32, #tpu.memory_space<vmem>> -> memref<1x64xf32, #tpu.memory_space<vmem>>
      %dma_wait3A_253 = tpu.memref_squeeze %dma_wait3A_252 : memref<1x64xf32, #tpu.memory_space<vmem>> -> memref<64xf32, #tpu.memory_space<vmem>>
      %dma_wait3A_254 = arith.constant 0 : i32
      %dma_wait3A_255 = tpu.memref_slice %arg2[%sub3A_250, %dma_wait3A_254] : memref<200x64xf32, #tpu.memory_space<hbm>> -> memref<1x64xf32, #tpu.memory_space<hbm>>
      %dma_wait3A_256 = tpu.memref_squeeze %dma_wait3A_255 : memref<1x64xf32, #tpu.memory_space<hbm>> -> memref<64xf32, #tpu.memory_space<hbm>>
      %dma_wait3A_257 = arith.constant 0 : i32
      %dma_wait3A_258 = tpu.memref_slice %arg4[%dma_wait3A, %dma_wait3A_257] : memref<7x64xf32, #tpu.memory_space<vmem>> -> memref<1x64xf32, #tpu.memory_space<vmem>>
      %dma_wait3A_259 = tpu.memref_squeeze %dma_wait3A_258 : memref<1x64xf32, #tpu.memory_space<vmem>> -> memref<64xf32, #tpu.memory_space<vmem>>
      %dma_wait3A_260 = arith.constant 0 : i32
      %dma_wait3A_261 = tpu.memref_slice %arg2[%sub3A_250, %dma_wait3A_260] : memref<200x64xf32, #tpu.memory_space<hbm>> -> memref<1x64xf32, #tpu.memory_space<hbm>>
      %dma_wait3A_262 = tpu.memref_squeeze %dma_wait3A_261 : memref<1x64xf32, #tpu.memory_space<hbm>> -> memref<64xf32, #tpu.memory_space<hbm>>
      tpu.wait_dma2 semaphore(%arg5 : memref<!tpu.dma_semaphore, #tpu.memory_space<semaphore_mem>>) src(%dma_wait3A_262 : memref<64xf32, #tpu.memory_space<hbm>>) dst(%dma_wait3A_259 : memref<64xf32, #tpu.memory_space<vmem>>)
    } else {
    }
    %mul3A_115 = arith.constant 7 : i32
    %mul3A_116 = arith.muli %add3A, %mul3A_115 : i32
    %add3A_117 = arith.constant 6 : i32
    %add3A_118 = arith.addi %mul3A_116, %add3A_117 : i32
    %lt3A_119 = arith.constant 200 : i32
    %lt3A_120 = arith.cmpi slt, %add3A_118, %lt3A_119 : i32
    %convert_element_type3A_121 = arith.extui %lt3A_120 : i1 to i32
    %cond3A_122 = arith.constant 0 : i32
    %cond3A_123 = arith.cmpi ne, %convert_element_type3A_121, %cond3A_122 : i32
    scf.if %cond3A_123 {
      %sub3A = arith.constant 199 : i32
      %sub3A_250 = arith.subi %sub3A, %add3A_118 : i32
      %dma_wait3A = arith.constant 6 : i32
      %dma_wait3A_251 = arith.constant 0 : i32
      %dma_wait3A_252 = tpu.memref_slice %arg4[%dma_wait3A, %dma_wait3A_251] : memref<7x64xf32, #tpu.memory_space<vmem>> -> memref<1x64xf32, #tpu.memory_space<vmem>>
      %dma_wait3A_253 = tpu.memref_squeeze %dma_wait3A_252 : memref<1x64xf32, #tpu.memory_space<vmem>> -> memref<64xf32, #tpu.memory_space<vmem>>
      %dma_wait3A_254 = arith.constant 0 : i32
      %dma_wait3A_255 = tpu.memref_slice %arg2[%sub3A_250, %dma_wait3A_254] : memref<200x64xf32, #tpu.memory_space<hbm>> -> memref<1x64xf32, #tpu.memory_space<hbm>>
      %dma_wait3A_256 = tpu.memref_squeeze %dma_wait3A_255 : memref<1x64xf32, #tpu.memory_space<hbm>> -> memref<64xf32, #tpu.memory_space<hbm>>
      %dma_wait3A_257 = arith.constant 0 : i32
      %dma_wait3A_258 = tpu.memref_slice %arg4[%dma_wait3A, %dma_wait3A_257] : memref<7x64xf32, #tpu.memory_space<vmem>> -> memref<1x64xf32, #tpu.memory_space<vmem>>
      %dma_wait3A_259 = tpu.memref_squeeze %dma_wait3A_258 : memref<1x64xf32, #tpu.memory_space<vmem>> -> memref<64xf32, #tpu.memory_space<vmem>>
      %dma_wait3A_260 = arith.constant 0 : i32
      %dma_wait3A_261 = tpu.memref_slice %arg2[%sub3A_250, %dma_wait3A_260] : memref<200x64xf32, #tpu.memory_space<hbm>> -> memref<1x64xf32, #tpu.memory_space<hbm>>
      %dma_wait3A_262 = tpu.memref_squeeze %dma_wait3A_261 : memref<1x64xf32, #tpu.memory_space<hbm>> -> memref<64xf32, #tpu.memory_space<hbm>>
      tpu.wait_dma2 semaphore(%arg5 : memref<!tpu.dma_semaphore, #tpu.memory_space<semaphore_mem>>) src(%dma_wait3A_262 : memref<64xf32, #tpu.memory_space<hbm>>) dst(%dma_wait3A_259 : memref<64xf32, #tpu.memory_space<vmem>>)
    } else {
    }
    %mul3A_124 = arith.constant 7 : i32
    %mul3A_125 = arith.muli %add3A, %mul3A_124 : i32
    %add3A_126 = arith.constant 0 : i32
    %add3A_127 = arith.addi %mul3A_125, %add3A_126 : i32
    %lt3A_128 = arith.constant 200 : i32
    %lt3A_129 = arith.cmpi slt, %add3A_127, %lt3A_128 : i32
    %convert_element_type3A_130 = arith.extui %lt3A_129 : i1 to i32
    %cond3A_131 = arith.constant 0 : i32
    %cond3A_132 = arith.cmpi ne, %convert_element_type3A_130, %cond3A_131 : i32
    scf.if %cond3A_132 {
      %dma_start3A = arith.constant 0 : i32
      %dma_start3A_250 = arith.constant 0 : i32
      %dma_start3A_251 = tpu.memref_slice %arg4[%dma_start3A, %dma_start3A_250] : memref<7x64xf32, #tpu.memory_space<vmem>> -> memref<1x64xf32, #tpu.memory_space<vmem>>
      %dma_start3A_252 = tpu.memref_squeeze %dma_start3A_251 : memref<1x64xf32, #tpu.memory_space<vmem>> -> memref<64xf32, #tpu.memory_space<vmem>>
      %dma_start3A_253 = arith.constant 0 : i32
      %dma_start3A_254 = tpu.memref_slice %arg3[%add3A_127, %dma_start3A_253] : memref<200x64xf32, #tpu.memory_space<hbm>> -> memref<1x64xf32, #tpu.memory_space<hbm>>
      %dma_start3A_255 = tpu.memref_squeeze %dma_start3A_254 : memref<1x64xf32, #tpu.memory_space<hbm>> -> memref<64xf32, #tpu.memory_space<hbm>>
      %dma_start3A_256 = arith.constant 0 : i32
      %dma_start3A_257 = tpu.memref_slice %arg3[%add3A_127, %dma_start3A_256] : memref<200x64xf32, #tpu.memory_space<hbm>> -> memref<1x64xf32, #tpu.memory_space<hbm>>
      %dma_start3A_258 = tpu.memref_squeeze %dma_start3A_257 : memref<1x64xf32, #tpu.memory_space<hbm>> -> memref<64xf32, #tpu.memory_space<hbm>>
      %dma_start3A_259 = arith.constant 0 : i32
      %dma_start3A_260 = tpu.memref_slice %arg4[%dma_start3A, %dma_start3A_259] : memref<7x64xf32, #tpu.memory_space<vmem>> -> memref<1x64xf32, #tpu.memory_space<vmem>>
      %dma_start3A_261 = tpu.memref_squeeze %dma_start3A_260 : memref<1x64xf32, #tpu.memory_space<vmem>> -> memref<64xf32, #tpu.memory_space<vmem>>
      tpu.enqueue_dma source(%dma_start3A_261 : memref<64xf32, #tpu.memory_space<vmem>>) target(%dma_start3A_258 : memref<64xf32, #tpu.memory_space<hbm>>) target_semaphore(%arg5 : memref<!tpu.dma_semaphore, #tpu.memory_space<semaphore_mem>>)
    } else {
    }
    %mul3A_133 = arith.constant 7 : i32
    %mul3A_134 = arith.muli %add3A, %mul3A_133 : i32
    %add3A_135 = arith.constant 1 : i32
    %add3A_136 = arith.addi %mul3A_134, %add3A_135 : i32
    %lt3A_137 = arith.constant 200 : i32
    %lt3A_138 = arith.cmpi slt, %add3A_136, %lt3A_137 : i32
    %convert_element_type3A_139 = arith.extui %lt3A_138 : i1 to i32
    %cond3A_140 = arith.constant 0 : i32
    %cond3A_141 = arith.cmpi ne, %convert_element_type3A_139, %cond3A_140 : i32
    scf.if %cond3A_141 {
      %dma_start3A = arith.constant 1 : i32
      %dma_start3A_250 = arith.constant 0 : i32
      %dma_start3A_251 = tpu.memref_slice %arg4[%dma_start3A, %dma_start3A_250] : memref<7x64xf32, #tpu.memory_space<vmem>> -> memref<1x64xf32, #tpu.memory_space<vmem>>
      %dma_start3A_252 = tpu.memref_squeeze %dma_start3A_251 : memref<1x64xf32, #tpu.memory_space<vmem>> -> memref<64xf32, #tpu.memory_space<vmem>>
      %dma_start3A_253 = arith.constant 0 : i32
      %dma_start3A_254 = tpu.memref_slice %arg3[%add3A_136, %dma_start3A_253] : memref<200x64xf32, #tpu.memory_space<hbm>> -> memref<1x64xf32, #tpu.memory_space<hbm>>
      %dma_start3A_255 = tpu.memref_squeeze %dma_start3A_254 : memref<1x64xf32, #tpu.memory_space<hbm>> -> memref<64xf32, #tpu.memory_space<hbm>>
      %dma_start3A_256 = arith.constant 0 : i32
      %dma_start3A_257 = tpu.memref_slice %arg3[%add3A_136, %dma_start3A_256] : memref<200x64xf32, #tpu.memory_space<hbm>> -> memref<1x64xf32, #tpu.memory_space<hbm>>
      %dma_start3A_258 = tpu.memref_squeeze %dma_start3A_257 : memref<1x64xf32, #tpu.memory_space<hbm>> -> memref<64xf32, #tpu.memory_space<hbm>>
      %dma_start3A_259 = arith.constant 0 : i32
      %dma_start3A_260 = tpu.memref_slice %arg4[%dma_start3A, %dma_start3A_259] : memref<7x64xf32, #tpu.memory_space<vmem>> -> memref<1x64xf32, #tpu.memory_space<vmem>>
      %dma_start3A_261 = tpu.memref_squeeze %dma_start3A_260 : memref<1x64xf32, #tpu.memory_space<vmem>> -> memref<64xf32, #tpu.memory_space<vmem>>
      tpu.enqueue_dma source(%dma_start3A_261 : memref<64xf32, #tpu.memory_space<vmem>>) target(%dma_start3A_258 : memref<64xf32, #tpu.memory_space<hbm>>) target_semaphore(%arg5 : memref<!tpu.dma_semaphore, #tpu.memory_space<semaphore_mem>>)
    } else {
    }
    %mul3A_142 = arith.constant 7 : i32
    %mul3A_143 = arith.muli %add3A, %mul3A_142 : i32
    %add3A_144 = arith.constant 2 : i32
    %add3A_145 = arith.addi %mul3A_143, %add3A_144 : i32
    %lt3A_146 = arith.constant 200 : i32
    %lt3A_147 = arith.cmpi slt, %add3A_145, %lt3A_146 : i32
    %convert_element_type3A_148 = arith.extui %lt3A_147 : i1 to i32
    %cond3A_149 = arith.constant 0 : i32
    %cond3A_150 = arith.cmpi ne, %convert_element_type3A_148, %cond3A_149 : i32
    scf.if %cond3A_150 {
      %dma_start3A = arith.constant 2 : i32
      %dma_start3A_250 = arith.constant 0 : i32
      %dma_start3A_251 = tpu.memref_slice %arg4[%dma_start3A, %dma_start3A_250] : memref<7x64xf32, #tpu.memory_space<vmem>> -> memref<1x64xf32, #tpu.memory_space<vmem>>
      %dma_start3A_252 = tpu.memref_squeeze %dma_start3A_251 : memref<1x64xf32, #tpu.memory_space<vmem>> -> memref<64xf32, #tpu.memory_space<vmem>>
      %dma_start3A_253 = arith.constant 0 : i32
      %dma_start3A_254 = tpu.memref_slice %arg3[%add3A_145, %dma_start3A_253] : memref<200x64xf32, #tpu.memory_space<hbm>> -> memref<1x64xf32, #tpu.memory_space<hbm>>
      %dma_start3A_255 = tpu.memref_squeeze %dma_start3A_254 : memref<1x64xf32, #tpu.memory_space<hbm>> -> memref<64xf32, #tpu.memory_space<hbm>>
      %dma_start3A_256 = arith.constant 0 : i32
      %dma_start3A_257 = tpu.memref_slice %arg3[%add3A_145, %dma_start3A_256] : memref<200x64xf32, #tpu.memory_space<hbm>> -> memref<1x64xf32, #tpu.memory_space<hbm>>
      %dma_start3A_258 = tpu.memref_squeeze %dma_start3A_257 : memref<1x64xf32, #tpu.memory_space<hbm>> -> memref<64xf32, #tpu.memory_space<hbm>>
      %dma_start3A_259 = arith.constant 0 : i32
      %dma_start3A_260 = tpu.memref_slice %arg4[%dma_start3A, %dma_start3A_259] : memref<7x64xf32, #tpu.memory_space<vmem>> -> memref<1x64xf32, #tpu.memory_space<vmem>>
      %dma_start3A_261 = tpu.memref_squeeze %dma_start3A_260 : memref<1x64xf32, #tpu.memory_space<vmem>> -> memref<64xf32, #tpu.memory_space<vmem>>
      tpu.enqueue_dma source(%dma_start3A_261 : memref<64xf32, #tpu.memory_space<vmem>>) target(%dma_start3A_258 : memref<64xf32, #tpu.memory_space<hbm>>) target_semaphore(%arg5 : memref<!tpu.dma_semaphore, #tpu.memory_space<semaphore_mem>>)
    } else {
    }
    %mul3A_151 = arith.constant 7 : i32
    %mul3A_152 = arith.muli %add3A, %mul3A_151 : i32
    %add3A_153 = arith.constant 3 : i32
    %add3A_154 = arith.addi %mul3A_152, %add3A_153 : i32
    %lt3A_155 = arith.constant 200 : i32
    %lt3A_156 = arith.cmpi slt, %add3A_154, %lt3A_155 : i32
    %convert_element_type3A_157 = arith.extui %lt3A_156 : i1 to i32
    %cond3A_158 = arith.constant 0 : i32
    %cond3A_159 = arith.cmpi ne, %convert_element_type3A_157, %cond3A_158 : i32
    scf.if %cond3A_159 {
      %dma_start3A = arith.constant 3 : i32
      %dma_start3A_250 = arith.constant 0 : i32
      %dma_start3A_251 = tpu.memref_slice %arg4[%dma_start3A, %dma_start3A_250] : memref<7x64xf32, #tpu.memory_space<vmem>> -> memref<1x64xf32, #tpu.memory_space<vmem>>
      %dma_start3A_252 = tpu.memref_squeeze %dma_start3A_251 : memref<1x64xf32, #tpu.memory_space<vmem>> -> memref<64xf32, #tpu.memory_space<vmem>>
      %dma_start3A_253 = arith.constant 0 : i32
      %dma_start3A_254 = tpu.memref_slice %arg3[%add3A_154, %dma_start3A_253] : memref<200x64xf32, #tpu.memory_space<hbm>> -> memref<1x64xf32, #tpu.memory_space<hbm>>
      %dma_start3A_255 = tpu.memref_squeeze %dma_start3A_254 : memref<1x64xf32, #tpu.memory_space<hbm>> -> memref<64xf32, #tpu.memory_space<hbm>>
      %dma_start3A_256 = arith.constant 0 : i32
      %dma_start3A_257 = tpu.memref_slice %arg3[%add3A_154, %dma_start3A_256] : memref<200x64xf32, #tpu.memory_space<hbm>> -> memref<1x64xf32, #tpu.memory_space<hbm>>
      %dma_start3A_258 = tpu.memref_squeeze %dma_start3A_257 : memref<1x64xf32, #tpu.memory_space<hbm>> -> memref<64xf32, #tpu.memory_space<hbm>>
      %dma_start3A_259 = arith.constant 0 : i32
      %dma_start3A_260 = tpu.memref_slice %arg4[%dma_start3A, %dma_start3A_259] : memref<7x64xf32, #tpu.memory_space<vmem>> -> memref<1x64xf32, #tpu.memory_space<vmem>>
      %dma_start3A_261 = tpu.memref_squeeze %dma_start3A_260 : memref<1x64xf32, #tpu.memory_space<vmem>> -> memref<64xf32, #tpu.memory_space<vmem>>
      tpu.enqueue_dma source(%dma_start3A_261 : memref<64xf32, #tpu.memory_space<vmem>>) target(%dma_start3A_258 : memref<64xf32, #tpu.memory_space<hbm>>) target_semaphore(%arg5 : memref<!tpu.dma_semaphore, #tpu.memory_space<semaphore_mem>>)
    } else {
    }
    %mul3A_160 = arith.constant 7 : i32
    %mul3A_161 = arith.muli %add3A, %mul3A_160 : i32
    %add3A_162 = arith.constant 4 : i32
    %add3A_163 = arith.addi %mul3A_161, %add3A_162 : i32
    %lt3A_164 = arith.constant 200 : i32
    %lt3A_165 = arith.cmpi slt, %add3A_163, %lt3A_164 : i32
    %convert_element_type3A_166 = arith.extui %lt3A_165 : i1 to i32
    %cond3A_167 = arith.constant 0 : i32
    %cond3A_168 = arith.cmpi ne, %convert_element_type3A_166, %cond3A_167 : i32
    scf.if %cond3A_168 {
      %dma_start3A = arith.constant 4 : i32
      %dma_start3A_250 = arith.constant 0 : i32
      %dma_start3A_251 = tpu.memref_slice %arg4[%dma_start3A, %dma_start3A_250] : memref<7x64xf32, #tpu.memory_space<vmem>> -> memref<1x64xf32, #tpu.memory_space<vmem>>
      %dma_start3A_252 = tpu.memref_squeeze %dma_start3A_251 : memref<1x64xf32, #tpu.memory_space<vmem>> -> memref<64xf32, #tpu.memory_space<vmem>>
      %dma_start3A_253 = arith.constant 0 : i32
      %dma_start3A_254 = tpu.memref_slice %arg3[%add3A_163, %dma_start3A_253] : memref<200x64xf32, #tpu.memory_space<hbm>> -> memref<1x64xf32, #tpu.memory_space<hbm>>
      %dma_start3A_255 = tpu.memref_squeeze %dma_start3A_254 : memref<1x64xf32, #tpu.memory_space<hbm>> -> memref<64xf32, #tpu.memory_space<hbm>>
      %dma_start3A_256 = arith.constant 0 : i32
      %dma_start3A_257 = tpu.memref_slice %arg3[%add3A_163, %dma_start3A_256] : memref<200x64xf32, #tpu.memory_space<hbm>> -> memref<1x64xf32, #tpu.memory_space<hbm>>
      %dma_start3A_258 = tpu.memref_squeeze %dma_start3A_257 : memref<1x64xf32, #tpu.memory_space<hbm>> -> memref<64xf32, #tpu.memory_space<hbm>>
      %dma_start3A_259 = arith.constant 0 : i32
      %dma_start3A_260 = tpu.memref_slice %arg4[%dma_start3A, %dma_start3A_259] : memref<7x64xf32, #tpu.memory_space<vmem>> -> memref<1x64xf32, #tpu.memory_space<vmem>>
      %dma_start3A_261 = tpu.memref_squeeze %dma_start3A_260 : memref<1x64xf32, #tpu.memory_space<vmem>> -> memref<64xf32, #tpu.memory_space<vmem>>
      tpu.enqueue_dma source(%dma_start3A_261 : memref<64xf32, #tpu.memory_space<vmem>>) target(%dma_start3A_258 : memref<64xf32, #tpu.memory_space<hbm>>) target_semaphore(%arg5 : memref<!tpu.dma_semaphore, #tpu.memory_space<semaphore_mem>>)
    } else {
    }
    %mul3A_169 = arith.constant 7 : i32
    %mul3A_170 = arith.muli %add3A, %mul3A_169 : i32
    %add3A_171 = arith.constant 5 : i32
    %add3A_172 = arith.addi %mul3A_170, %add3A_171 : i32
    %lt3A_173 = arith.constant 200 : i32
    %lt3A_174 = arith.cmpi slt, %add3A_172, %lt3A_173 : i32
    %convert_element_type3A_175 = arith.extui %lt3A_174 : i1 to i32
    %cond3A_176 = arith.constant 0 : i32
    %cond3A_177 = arith.cmpi ne, %convert_element_type3A_175, %cond3A_176 : i32
    scf.if %cond3A_177 {
      %dma_start3A = arith.constant 5 : i32
      %dma_start3A_250 = arith.constant 0 : i32
      %dma_start3A_251 = tpu.memref_slice %arg4[%dma_start3A, %dma_start3A_250] : memref<7x64xf32, #tpu.memory_space<vmem>> -> memref<1x64xf32, #tpu.memory_space<vmem>>
      %dma_start3A_252 = tpu.memref_squeeze %dma_start3A_251 : memref<1x64xf32, #tpu.memory_space<vmem>> -> memref<64xf32, #tpu.memory_space<vmem>>
      %dma_start3A_253 = arith.constant 0 : i32
      %dma_start3A_254 = tpu.memref_slice %arg3[%add3A_172, %dma_start3A_253] : memref<200x64xf32, #tpu.memory_space<hbm>> -> memref<1x64xf32, #tpu.memory_space<hbm>>
      %dma_start3A_255 = tpu.memref_squeeze %dma_start3A_254 : memref<1x64xf32, #tpu.memory_space<hbm>> -> memref<64xf32, #tpu.memory_space<hbm>>
      %dma_start3A_256 = arith.constant 0 : i32
      %dma_start3A_257 = tpu.memref_slice %arg3[%add3A_172, %dma_start3A_256] : memref<200x64xf32, #tpu.memory_space<hbm>> -> memref<1x64xf32, #tpu.memory_space<hbm>>
      %dma_start3A_258 = tpu.memref_squeeze %dma_start3A_257 : memref<1x64xf32, #tpu.memory_space<hbm>> -> memref<64xf32, #tpu.memory_space<hbm>>
      %dma_start3A_259 = arith.constant 0 : i32
      %dma_start3A_260 = tpu.memref_slice %arg4[%dma_start3A, %dma_start3A_259] : memref<7x64xf32, #tpu.memory_space<vmem>> -> memref<1x64xf32, #tpu.memory_space<vmem>>
      %dma_start3A_261 = tpu.memref_squeeze %dma_start3A_260 : memref<1x64xf32, #tpu.memory_space<vmem>> -> memref<64xf32, #tpu.memory_space<vmem>>
      tpu.enqueue_dma source(%dma_start3A_261 : memref<64xf32, #tpu.memory_space<vmem>>) target(%dma_start3A_258 : memref<64xf32, #tpu.memory_space<hbm>>) target_semaphore(%arg5 : memref<!tpu.dma_semaphore, #tpu.memory_space<semaphore_mem>>)
    } else {
    }
    %mul3A_178 = arith.constant 7 : i32
    %mul3A_179 = arith.muli %add3A, %mul3A_178 : i32
    %add3A_180 = arith.constant 6 : i32
    %add3A_181 = arith.addi %mul3A_179, %add3A_180 : i32
    %lt3A_182 = arith.constant 200 : i32
    %lt3A_183 = arith.cmpi slt, %add3A_181, %lt3A_182 : i32
    %convert_element_type3A_184 = arith.extui %lt3A_183 : i1 to i32
    %cond3A_185 = arith.constant 0 : i32
    %cond3A_186 = arith.cmpi ne, %convert_element_type3A_184, %cond3A_185 : i32
    scf.if %cond3A_186 {
      %dma_start3A = arith.constant 6 : i32
      %dma_start3A_250 = arith.constant 0 : i32
      %dma_start3A_251 = tpu.memref_slice %arg4[%dma_start3A, %dma_start3A_250] : memref<7x64xf32, #tpu.memory_space<vmem>> -> memref<1x64xf32, #tpu.memory_space<vmem>>
      %dma_start3A_252 = tpu.memref_squeeze %dma_start3A_251 : memref<1x64xf32, #tpu.memory_space<vmem>> -> memref<64xf32, #tpu.memory_space<vmem>>
      %dma_start3A_253 = arith.constant 0 : i32
      %dma_start3A_254 = tpu.memref_slice %arg3[%add3A_181, %dma_start3A_253] : memref<200x64xf32, #tpu.memory_space<hbm>> -> memref<1x64xf32, #tpu.memory_space<hbm>>
      %dma_start3A_255 = tpu.memref_squeeze %dma_start3A_254 : memref<1x64xf32, #tpu.memory_space<hbm>> -> memref<64xf32, #tpu.memory_space<hbm>>
      %dma_start3A_256 = arith.constant 0 : i32
      %dma_start3A_257 = tpu.memref_slice %arg3[%add3A_181, %dma_start3A_256] : memref<200x64xf32, #tpu.memory_space<hbm>> -> memref<1x64xf32, #tpu.memory_space<hbm>>
      %dma_start3A_258 = tpu.memref_squeeze %dma_start3A_257 : memref<1x64xf32, #tpu.memory_space<hbm>> -> memref<64xf32, #tpu.memory_space<hbm>>
      %dma_start3A_259 = arith.constant 0 : i32
      %dma_start3A_260 = tpu.memref_slice %arg4[%dma_start3A, %dma_start3A_259] : memref<7x64xf32, #tpu.memory_space<vmem>> -> memref<1x64xf32, #tpu.memory_space<vmem>>
      %dma_start3A_261 = tpu.memref_squeeze %dma_start3A_260 : memref<1x64xf32, #tpu.memory_space<vmem>> -> memref<64xf32, #tpu.memory_space<vmem>>
      tpu.enqueue_dma source(%dma_start3A_261 : memref<64xf32, #tpu.memory_space<vmem>>) target(%dma_start3A_258 : memref<64xf32, #tpu.memory_space<hbm>>) target_semaphore(%arg5 : memref<!tpu.dma_semaphore, #tpu.memory_space<semaphore_mem>>)
    } else {
    }
    %mul3A_187 = arith.constant 7 : i32
    %mul3A_188 = arith.muli %add3A, %mul3A_187 : i32
    %add3A_189 = arith.constant 0 : i32
    %add3A_190 = arith.addi %mul3A_188, %add3A_189 : i32
    %lt3A_191 = arith.constant 200 : i32
    %lt3A_192 = arith.cmpi slt, %add3A_190, %lt3A_191 : i32
    %convert_element_type3A_193 = arith.extui %lt3A_192 : i1 to i32
    %cond3A_194 = arith.constant 0 : i32
    %cond3A_195 = arith.cmpi ne, %convert_element_type3A_193, %cond3A_194 : i32
    scf.if %cond3A_195 {
      %dma_wait3A = arith.constant 0 : i32
      %dma_wait3A_250 = arith.constant 0 : i32
      %dma_wait3A_251 = tpu.memref_slice %arg4[%dma_wait3A, %dma_wait3A_250] : memref<7x64xf32, #tpu.memory_space<vmem>> -> memref<1x64xf32, #tpu.memory_space<vmem>>
      %dma_wait3A_252 = tpu.memref_squeeze %dma_wait3A_251 : memref<1x64xf32, #tpu.memory_space<vmem>> -> memref<64xf32, #tpu.memory_space<vmem>>
      %dma_wait3A_253 = arith.constant 0 : i32
      %dma_wait3A_254 = tpu.memref_slice %arg3[%add3A_190, %dma_wait3A_253] : memref<200x64xf32, #tpu.memory_space<hbm>> -> memref<1x64xf32, #tpu.memory_space<hbm>>
      %dma_wait3A_255 = tpu.memref_squeeze %dma_wait3A_254 : memref<1x64xf32, #tpu.memory_space<hbm>> -> memref<64xf32, #tpu.memory_space<hbm>>
      %dma_wait3A_256 = arith.constant 0 : i32
      %dma_wait3A_257 = tpu.memref_slice %arg3[%add3A_190, %dma_wait3A_256] : memref<200x64xf32, #tpu.memory_space<hbm>> -> memref<1x64xf32, #tpu.memory_space<hbm>>
      %dma_wait3A_258 = tpu.memref_squeeze %dma_wait3A_257 : memref<1x64xf32, #tpu.memory_space<hbm>> -> memref<64xf32, #tpu.memory_space<hbm>>
      %dma_wait3A_259 = arith.constant 0 : i32
      %dma_wait3A_260 = tpu.memref_slice %arg4[%dma_wait3A, %dma_wait3A_259] : memref<7x64xf32, #tpu.memory_space<vmem>> -> memref<1x64xf32, #tpu.memory_space<vmem>>
      %dma_wait3A_261 = tpu.memref_squeeze %dma_wait3A_260 : memref<1x64xf32, #tpu.memory_space<vmem>> -> memref<64xf32, #tpu.memory_space<vmem>>
      tpu.wait_dma2 semaphore(%arg5 : memref<!tpu.dma_semaphore, #tpu.memory_space<semaphore_mem>>) src(%dma_wait3A_261 : memref<64xf32, #tpu.memory_space<vmem>>) dst(%dma_wait3A_258 : memref<64xf32, #tpu.memory_space<hbm>>)
    } else {
    }
    %mul3A_196 = arith.constant 7 : i32
    %mul3A_197 = arith.muli %add3A, %mul3A_196 : i32
    %add3A_198 = arith.constant 1 : i32
    %add3A_199 = arith.addi %mul3A_197, %add3A_198 : i32
    %lt3A_200 = arith.constant 200 : i32
    %lt3A_201 = arith.cmpi slt, %add3A_199, %lt3A_200 : i32
    %convert_element_type3A_202 = arith.extui %lt3A_201 : i1 to i32
    %cond3A_203 = arith.constant 0 : i32
    %cond3A_204 = arith.cmpi ne, %convert_element_type3A_202, %cond3A_203 : i32
    scf.if %cond3A_204 {
      %dma_wait3A = arith.constant 1 : i32
      %dma_wait3A_250 = arith.constant 0 : i32
      %dma_wait3A_251 = tpu.memref_slice %arg4[%dma_wait3A, %dma_wait3A_250] : memref<7x64xf32, #tpu.memory_space<vmem>> -> memref<1x64xf32, #tpu.memory_space<vmem>>
      %dma_wait3A_252 = tpu.memref_squeeze %dma_wait3A_251 : memref<1x64xf32, #tpu.memory_space<vmem>> -> memref<64xf32, #tpu.memory_space<vmem>>
      %dma_wait3A_253 = arith.constant 0 : i32
      %dma_wait3A_254 = tpu.memref_slice %arg3[%add3A_199, %dma_wait3A_253] : memref<200x64xf32, #tpu.memory_space<hbm>> -> memref<1x64xf32, #tpu.memory_space<hbm>>
      %dma_wait3A_255 = tpu.memref_squeeze %dma_wait3A_254 : memref<1x64xf32, #tpu.memory_space<hbm>> -> memref<64xf32, #tpu.memory_space<hbm>>
      %dma_wait3A_256 = arith.constant 0 : i32
      %dma_wait3A_257 = tpu.memref_slice %arg3[%add3A_199, %dma_wait3A_256] : memref<200x64xf32, #tpu.memory_space<hbm>> -> memref<1x64xf32, #tpu.memory_space<hbm>>
      %dma_wait3A_258 = tpu.memref_squeeze %dma_wait3A_257 : memref<1x64xf32, #tpu.memory_space<hbm>> -> memref<64xf32, #tpu.memory_space<hbm>>
      %dma_wait3A_259 = arith.constant 0 : i32
      %dma_wait3A_260 = tpu.memref_slice %arg4[%dma_wait3A, %dma_wait3A_259] : memref<7x64xf32, #tpu.memory_space<vmem>> -> memref<1x64xf32, #tpu.memory_space<vmem>>
      %dma_wait3A_261 = tpu.memref_squeeze %dma_wait3A_260 : memref<1x64xf32, #tpu.memory_space<vmem>> -> memref<64xf32, #tpu.memory_space<vmem>>
      tpu.wait_dma2 semaphore(%arg5 : memref<!tpu.dma_semaphore, #tpu.memory_space<semaphore_mem>>) src(%dma_wait3A_261 : memref<64xf32, #tpu.memory_space<vmem>>) dst(%dma_wait3A_258 : memref<64xf32, #tpu.memory_space<hbm>>)
    } else {
    }
    %mul3A_205 = arith.constant 7 : i32
    %mul3A_206 = arith.muli %add3A, %mul3A_205 : i32
    %add3A_207 = arith.constant 2 : i32
    %add3A_208 = arith.addi %mul3A_206, %add3A_207 : i32
    %lt3A_209 = arith.constant 200 : i32
    %lt3A_210 = arith.cmpi slt, %add3A_208, %lt3A_209 : i32
    %convert_element_type3A_211 = arith.extui %lt3A_210 : i1 to i32
    %cond3A_212 = arith.constant 0 : i32
    %cond3A_213 = arith.cmpi ne, %convert_element_type3A_211, %cond3A_212 : i32
    scf.if %cond3A_213 {
      %dma_wait3A = arith.constant 2 : i32
      %dma_wait3A_250 = arith.constant 0 : i32
      %dma_wait3A_251 = tpu.memref_slice %arg4[%dma_wait3A, %dma_wait3A_250] : memref<7x64xf32, #tpu.memory_space<vmem>> -> memref<1x64xf32, #tpu.memory_space<vmem>>
      %dma_wait3A_252 = tpu.memref_squeeze %dma_wait3A_251 : memref<1x64xf32, #tpu.memory_space<vmem>> -> memref<64xf32, #tpu.memory_space<vmem>>
      %dma_wait3A_253 = arith.constant 0 : i32
      %dma_wait3A_254 = tpu.memref_slice %arg3[%add3A_208, %dma_wait3A_253] : memref<200x64xf32, #tpu.memory_space<hbm>> -> memref<1x64xf32, #tpu.memory_space<hbm>>
      %dma_wait3A_255 = tpu.memref_squeeze %dma_wait3A_254 : memref<1x64xf32, #tpu.memory_space<hbm>> -> memref<64xf32, #tpu.memory_space<hbm>>
      %dma_wait3A_256 = arith.constant 0 : i32
      %dma_wait3A_257 = tpu.memref_slice %arg3[%add3A_208, %dma_wait3A_256] : memref<200x64xf32, #tpu.memory_space<hbm>> -> memref<1x64xf32, #tpu.memory_space<hbm>>
      %dma_wait3A_258 = tpu.memref_squeeze %dma_wait3A_257 : memref<1x64xf32, #tpu.memory_space<hbm>> -> memref<64xf32, #tpu.memory_space<hbm>>
      %dma_wait3A_259 = arith.constant 0 : i32
      %dma_wait3A_260 = tpu.memref_slice %arg4[%dma_wait3A, %dma_wait3A_259] : memref<7x64xf32, #tpu.memory_space<vmem>> -> memref<1x64xf32, #tpu.memory_space<vmem>>
      %dma_wait3A_261 = tpu.memref_squeeze %dma_wait3A_260 : memref<1x64xf32, #tpu.memory_space<vmem>> -> memref<64xf32, #tpu.memory_space<vmem>>
      tpu.wait_dma2 semaphore(%arg5 : memref<!tpu.dma_semaphore, #tpu.memory_space<semaphore_mem>>) src(%dma_wait3A_261 : memref<64xf32, #tpu.memory_space<vmem>>) dst(%dma_wait3A_258 : memref<64xf32, #tpu.memory_space<hbm>>)
    } else {
    }
    %mul3A_214 = arith.constant 7 : i32
    %mul3A_215 = arith.muli %add3A, %mul3A_214 : i32
    %add3A_216 = arith.constant 3 : i32
    %add3A_217 = arith.addi %mul3A_215, %add3A_216 : i32
    %lt3A_218 = arith.constant 200 : i32
    %lt3A_219 = arith.cmpi slt, %add3A_217, %lt3A_218 : i32
    %convert_element_type3A_220 = arith.extui %lt3A_219 : i1 to i32
    %cond3A_221 = arith.constant 0 : i32
    %cond3A_222 = arith.cmpi ne, %convert_element_type3A_220, %cond3A_221 : i32
    scf.if %cond3A_222 {
      %dma_wait3A = arith.constant 3 : i32
      %dma_wait3A_250 = arith.constant 0 : i32
      %dma_wait3A_251 = tpu.memref_slice %arg4[%dma_wait3A, %dma_wait3A_250] : memref<7x64xf32, #tpu.memory_space<vmem>> -> memref<1x64xf32, #tpu.memory_space<vmem>>
      %dma_wait3A_252 = tpu.memref_squeeze %dma_wait3A_251 : memref<1x64xf32, #tpu.memory_space<vmem>> -> memref<64xf32, #tpu.memory_space<vmem>>
      %dma_wait3A_253 = arith.constant 0 : i32
      %dma_wait3A_254 = tpu.memref_slice %arg3[%add3A_217, %dma_wait3A_253] : memref<200x64xf32, #tpu.memory_space<hbm>> -> memref<1x64xf32, #tpu.memory_space<hbm>>
      %dma_wait3A_255 = tpu.memref_squeeze %dma_wait3A_254 : memref<1x64xf32, #tpu.memory_space<hbm>> -> memref<64xf32, #tpu.memory_space<hbm>>
      %dma_wait3A_256 = arith.constant 0 : i32
      %dma_wait3A_257 = tpu.memref_slice %arg3[%add3A_217, %dma_wait3A_256] : memref<200x64xf32, #tpu.memory_space<hbm>> -> memref<1x64xf32, #tpu.memory_space<hbm>>
      %dma_wait3A_258 = tpu.memref_squeeze %dma_wait3A_257 : memref<1x64xf32, #tpu.memory_space<hbm>> -> memref<64xf32, #tpu.memory_space<hbm>>
      %dma_wait3A_259 = arith.constant 0 : i32
      %dma_wait3A_260 = tpu.memref_slice %arg4[%dma_wait3A, %dma_wait3A_259] : memref<7x64xf32, #tpu.memory_space<vmem>> -> memref<1x64xf32, #tpu.memory_space<vmem>>
      %dma_wait3A_261 = tpu.memref_squeeze %dma_wait3A_260 : memref<1x64xf32, #tpu.memory_space<vmem>> -> memref<64xf32, #tpu.memory_space<vmem>>
      tpu.wait_dma2 semaphore(%arg5 : memref<!tpu.dma_semaphore, #tpu.memory_space<semaphore_mem>>) src(%dma_wait3A_261 : memref<64xf32, #tpu.memory_space<vmem>>) dst(%dma_wait3A_258 : memref<64xf32, #tpu.memory_space<hbm>>)
    } else {
    }
    %mul3A_223 = arith.constant 7 : i32
    %mul3A_224 = arith.muli %add3A, %mul3A_223 : i32
    %add3A_225 = arith.constant 4 : i32
    %add3A_226 = arith.addi %mul3A_224, %add3A_225 : i32
    %lt3A_227 = arith.constant 200 : i32
    %lt3A_228 = arith.cmpi slt, %add3A_226, %lt3A_227 : i32
    %convert_element_type3A_229 = arith.extui %lt3A_228 : i1 to i32
    %cond3A_230 = arith.constant 0 : i32
    %cond3A_231 = arith.cmpi ne, %convert_element_type3A_229, %cond3A_230 : i32
    scf.if %cond3A_231 {
      %dma_wait3A = arith.constant 4 : i32
      %dma_wait3A_250 = arith.constant 0 : i32
      %dma_wait3A_251 = tpu.memref_slice %arg4[%dma_wait3A, %dma_wait3A_250] : memref<7x64xf32, #tpu.memory_space<vmem>> -> memref<1x64xf32, #tpu.memory_space<vmem>>
      %dma_wait3A_252 = tpu.memref_squeeze %dma_wait3A_251 : memref<1x64xf32, #tpu.memory_space<vmem>> -> memref<64xf32, #tpu.memory_space<vmem>>
      %dma_wait3A_253 = arith.constant 0 : i32
      %dma_wait3A_254 = tpu.memref_slice %arg3[%add3A_226, %dma_wait3A_253] : memref<200x64xf32, #tpu.memory_space<hbm>> -> memref<1x64xf32, #tpu.memory_space<hbm>>
      %dma_wait3A_255 = tpu.memref_squeeze %dma_wait3A_254 : memref<1x64xf32, #tpu.memory_space<hbm>> -> memref<64xf32, #tpu.memory_space<hbm>>
      %dma_wait3A_256 = arith.constant 0 : i32
      %dma_wait3A_257 = tpu.memref_slice %arg3[%add3A_226, %dma_wait3A_256] : memref<200x64xf32, #tpu.memory_space<hbm>> -> memref<1x64xf32, #tpu.memory_space<hbm>>
      %dma_wait3A_258 = tpu.memref_squeeze %dma_wait3A_257 : memref<1x64xf32, #tpu.memory_space<hbm>> -> memref<64xf32, #tpu.memory_space<hbm>>
      %dma_wait3A_259 = arith.constant 0 : i32
      %dma_wait3A_260 = tpu.memref_slice %arg4[%dma_wait3A, %dma_wait3A_259] : memref<7x64xf32, #tpu.memory_space<vmem>> -> memref<1x64xf32, #tpu.memory_space<vmem>>
      %dma_wait3A_261 = tpu.memref_squeeze %dma_wait3A_260 : memref<1x64xf32, #tpu.memory_space<vmem>> -> memref<64xf32, #tpu.memory_space<vmem>>
      tpu.wait_dma2 semaphore(%arg5 : memref<!tpu.dma_semaphore, #tpu.memory_space<semaphore_mem>>) src(%dma_wait3A_261 : memref<64xf32, #tpu.memory_space<vmem>>) dst(%dma_wait3A_258 : memref<64xf32, #tpu.memory_space<hbm>>)
    } else {
    }
    %mul3A_232 = arith.constant 7 : i32
    %mul3A_233 = arith.muli %add3A, %mul3A_232 : i32
    %add3A_234 = arith.constant 5 : i32
    %add3A_235 = arith.addi %mul3A_233, %add3A_234 : i32
    %lt3A_236 = arith.constant 200 : i32
    %lt3A_237 = arith.cmpi slt, %add3A_235, %lt3A_236 : i32
    %convert_element_type3A_238 = arith.extui %lt3A_237 : i1 to i32
    %cond3A_239 = arith.constant 0 : i32
    %cond3A_240 = arith.cmpi ne, %convert_element_type3A_238, %cond3A_239 : i32
    scf.if %cond3A_240 {
      %dma_wait3A = arith.constant 5 : i32
      %dma_wait3A_250 = arith.constant 0 : i32
      %dma_wait3A_251 = tpu.memref_slice %arg4[%dma_wait3A, %dma_wait3A_250] : memref<7x64xf32, #tpu.memory_space<vmem>> -> memref<1x64xf32, #tpu.memory_space<vmem>>
      %dma_wait3A_252 = tpu.memref_squeeze %dma_wait3A_251 : memref<1x64xf32, #tpu.memory_space<vmem>> -> memref<64xf32, #tpu.memory_space<vmem>>
      %dma_wait3A_253 = arith.constant 0 : i32
      %dma_wait3A_254 = tpu.memref_slice %arg3[%add3A_235, %dma_wait3A_253] : memref<200x64xf32, #tpu.memory_space<hbm>> -> memref<1x64xf32, #tpu.memory_space<hbm>>
      %dma_wait3A_255 = tpu.memref_squeeze %dma_wait3A_254 : memref<1x64xf32, #tpu.memory_space<hbm>> -> memref<64xf32, #tpu.memory_space<hbm>>
      %dma_wait3A_256 = arith.constant 0 : i32
      %dma_wait3A_257 = tpu.memref_slice %arg3[%add3A_235, %dma_wait3A_256] : memref<200x64xf32, #tpu.memory_space<hbm>> -> memref<1x64xf32, #tpu.memory_space<hbm>>
      %dma_wait3A_258 = tpu.memref_squeeze %dma_wait3A_257 : memref<1x64xf32, #tpu.memory_space<hbm>> -> memref<64xf32, #tpu.memory_space<hbm>>
      %dma_wait3A_259 = arith.constant 0 : i32
      %dma_wait3A_260 = tpu.memref_slice %arg4[%dma_wait3A, %dma_wait3A_259] : memref<7x64xf32, #tpu.memory_space<vmem>> -> memref<1x64xf32, #tpu.memory_space<vmem>>
      %dma_wait3A_261 = tpu.memref_squeeze %dma_wait3A_260 : memref<1x64xf32, #tpu.memory_space<vmem>> -> memref<64xf32, #tpu.memory_space<vmem>>
      tpu.wait_dma2 semaphore(%arg5 : memref<!tpu.dma_semaphore, #tpu.memory_space<semaphore_mem>>) src(%dma_wait3A_261 : memref<64xf32, #tpu.memory_space<vmem>>) dst(%dma_wait3A_258 : memref<64xf32, #tpu.memory_space<hbm>>)
    } else {
    }
    %mul3A_241 = arith.constant 7 : i32
    %mul3A_242 = arith.muli %add3A, %mul3A_241 : i32
    %add3A_243 = arith.constant 6 : i32
    %add3A_244 = arith.addi %mul3A_242, %add3A_243 : i32
    %lt3A_245 = arith.constant 200 : i32
    %lt3A_246 = arith.cmpi slt, %add3A_244, %lt3A_245 : i32
    %convert_element_type3A_247 = arith.extui %lt3A_246 : i1 to i32
    %cond3A_248 = arith.constant 0 : i32
    %cond3A_249 = arith.cmpi ne, %convert_element_type3A_247, %cond3A_248 : i32
    scf.if %cond3A_249 {
      %dma_wait3A = arith.constant 6 : i32
      %dma_wait3A_250 = arith.constant 0 : i32
      %dma_wait3A_251 = tpu.memref_slice %arg4[%dma_wait3A, %dma_wait3A_250] : memref<7x64xf32, #tpu.memory_space<vmem>> -> memref<1x64xf32, #tpu.memory_space<vmem>>
      %dma_wait3A_252 = tpu.memref_squeeze %dma_wait3A_251 : memref<1x64xf32, #tpu.memory_space<vmem>> -> memref<64xf32, #tpu.memory_space<vmem>>
      %dma_wait3A_253 = arith.constant 0 : i32
      %dma_wait3A_254 = tpu.memref_slice %arg3[%add3A_244, %dma_wait3A_253] : memref<200x64xf32, #tpu.memory_space<hbm>> -> memref<1x64xf32, #tpu.memory_space<hbm>>
      %dma_wait3A_255 = tpu.memref_squeeze %dma_wait3A_254 : memref<1x64xf32, #tpu.memory_space<hbm>> -> memref<64xf32, #tpu.memory_space<hbm>>
      %dma_wait3A_256 = arith.constant 0 : i32
      %dma_wait3A_257 = tpu.memref_slice %arg3[%add3A_244, %dma_wait3A_256] : memref<200x64xf32, #tpu.memory_space<hbm>> -> memref<1x64xf32, #tpu.memory_space<hbm>>
      %dma_wait3A_258 = tpu.memref_squeeze %dma_wait3A_257 : memref<1x64xf32, #tpu.memory_space<hbm>> -> memref<64xf32, #tpu.memory_space<hbm>>
      %dma_wait3A_259 = arith.constant 0 : i32
      %dma_wait3A_260 = tpu.memref_slice %arg4[%dma_wait3A, %dma_wait3A_259] : memref<7x64xf32, #tpu.memory_space<vmem>> -> memref<1x64xf32, #tpu.memory_space<vmem>>
      %dma_wait3A_261 = tpu.memref_squeeze %dma_wait3A_260 : memref<1x64xf32, #tpu.memory_space<vmem>> -> memref<64xf32, #tpu.memory_space<vmem>>
      tpu.wait_dma2 semaphore(%arg5 : memref<!tpu.dma_semaphore, #tpu.memory_space<semaphore_mem>>) src(%dma_wait3A_261 : memref<64xf32, #tpu.memory_space<vmem>>) dst(%dma_wait3A_258 : memref<64xf32, #tpu.memory_space<hbm>>)
    } else {
    }
    return
  }
}

module attributes {stable_mosaic.version = 14 : i64} {
  func.func @_tc_add_body(%arg0: i32, %arg1: memref<10x64x4096xf32, #tpu.memory_space<vmem>>, %arg2: memref<200x64x1xf32, #tpu.memory_space<vmem>>, %arg3: memref<10x64x4096xf32, #tpu.memory_space<vmem>>) attributes {dimension_semantics = [#tpu.dimension_semantics<arbitrary>], iteration_bounds = array<i64: 20>, scalar_prefetch = 0 : i64, scratch_operands = 0 : i64, tpu.core_type = #tpu.core_type<tc>, window_params = [{transform_indices = @transform_0, window_bounds = array<i64: 10, 64, 4096>}, {pipeline_mode = #tpu.pipeline_mode<synchronous>, transform_indices = @transform_1, window_bounds = array<i64: 200, 64, 1>}, {transform_indices = @transform_2, window_bounds = array<i64: 10, 64, 4096>}]} {
    %mul3A = arith.constant 10 : i32
    %mul3A_0 = arith.muli %arg0, %mul3A : i32
    %add3A = arith.constant 0 : i32
    %add3A_1 = arith.addi %mul3A_0, %add3A : i32
    %get3A = arith.index_cast %add3A_1 : i32 to index
    %get3A_2 = arith.constant 0 : index
    %get3A_3 = arith.constant 0 : index
    %get3A_4 = vector.load %arg2[%get3A, %get3A_2, %get3A_3] : memref<200x64x1xf32, #tpu.memory_space<vmem>>, vector<1x64x1xf32>
    %get3A_5 = vector.shape_cast %get3A_4 : vector<1x64x1xf32> to vector<64x1xf32>
    %get3A_6 = arith.constant 0 : index
    %get3A_7 = arith.constant 0 : index
    %get3A_8 = arith.constant 0 : index
    %get3A_9 = vector.load %arg1[%get3A_6, %get3A_7, %get3A_8] : memref<10x64x4096xf32, #tpu.memory_space<vmem>>, vector<1x64x4096xf32>
    %get3A_10 = vector.shape_cast %get3A_9 : vector<1x64x4096xf32> to vector<64x4096xf32>
    %broadcast_in_dim3A = vector.shape_cast %get3A_5 : vector<64x1xf32> to vector<64x1xf32>
    %broadcast_in_dim3A_11 = vector.broadcast %broadcast_in_dim3A : vector<64x1xf32> to vector<64x4096xf32>
    %add3A_12 = arith.addf %get3A_10, %broadcast_in_dim3A_11 : vector<64x4096xf32>
    %swap3A = arith.constant 0 : index
    %swap3A_13 = arith.constant 0 : index
    %swap3A_14 = arith.constant 0 : index
    %swap3A_15 = vector.load %arg3[%swap3A, %swap3A_13, %swap3A_14] : memref<10x64x4096xf32, #tpu.memory_space<vmem>>, vector<1x64x4096xf32>
    %swap3A_16 = vector.shape_cast %swap3A_15 : vector<1x64x4096xf32> to vector<64x4096xf32>
    %swap3A_17 = vector.shape_cast %add3A_12 : vector<64x4096xf32> to vector<1x64x4096xf32>
    tpu.vector_store %arg3[%swap3A, %swap3A_13, %swap3A_14], %swap3A_17 {strides = array<i32>} : memref<10x64x4096xf32, #tpu.memory_space<vmem>>, vector<1x64x4096xf32>,
    %mul3A_18 = arith.constant 10 : i32
    %mul3A_19 = arith.muli %arg0, %mul3A_18 : i32
    %add3A_20 = arith.constant 1 : i32
    %add3A_21 = arith.addi %mul3A_19, %add3A_20 : i32
    %get3A_22 = arith.index_cast %add3A_21 : i32 to index
    %get3A_23 = arith.constant 0 : index
    %get3A_24 = arith.constant 0 : index
    %get3A_25 = vector.load %arg2[%get3A_22, %get3A_23, %get3A_24] : memref<200x64x1xf32, #tpu.memory_space<vmem>>, vector<1x64x1xf32>
    %get3A_26 = vector.shape_cast %get3A_25 : vector<1x64x1xf32> to vector<64x1xf32>
    %get3A_27 = arith.constant 1 : index
    %get3A_28 = arith.constant 0 : index
    %get3A_29 = arith.constant 0 : index
    %get3A_30 = vector.load %arg1[%get3A_27, %get3A_28, %get3A_29] : memref<10x64x4096xf32, #tpu.memory_space<vmem>>, vector<1x64x4096xf32>
    %get3A_31 = vector.shape_cast %get3A_30 : vector<1x64x4096xf32> to vector<64x4096xf32>
    %broadcast_in_dim3A_32 = vector.shape_cast %get3A_26 : vector<64x1xf32> to vector<64x1xf32>
    %broadcast_in_dim3A_33 = vector.broadcast %broadcast_in_dim3A_32 : vector<64x1xf32> to vector<64x4096xf32>
    %add3A_34 = arith.addf %get3A_31, %broadcast_in_dim3A_33 : vector<64x4096xf32>
    %swap3A_35 = arith.constant 1 : index
    %swap3A_36 = arith.constant 0 : index
    %swap3A_37 = arith.constant 0 : index
    %swap3A_38 = vector.load %arg3[%swap3A_35, %swap3A_36, %swap3A_37] : memref<10x64x4096xf32, #tpu.memory_space<vmem>>, vector<1x64x4096xf32>
    %swap3A_39 = vector.shape_cast %swap3A_38 : vector<1x64x4096xf32> to vector<64x4096xf32>
    %swap3A_40 = vector.shape_cast %add3A_34 : vector<64x4096xf32> to vector<1x64x4096xf32>
    tpu.vector_store %arg3[%swap3A_35, %swap3A_36, %swap3A_37], %swap3A_40 {strides = array<i32>} : memref<10x64x4096xf32, #tpu.memory_space<vmem>>, vector<1x64x4096xf32>,
    %mul3A_41 = arith.constant 10 : i32
    %mul3A_42 = arith.muli %arg0, %mul3A_41 : i32
    %add3A_43 = arith.constant 2 : i32
    %add3A_44 = arith.addi %mul3A_42, %add3A_43 : i32
    %get3A_45 = arith.index_cast %add3A_44 : i32 to index
    %get3A_46 = arith.constant 0 : index
    %get3A_47 = arith.constant 0 : index
    %get3A_48 = vector.load %arg2[%get3A_45, %get3A_46, %get3A_47] : memref<200x64x1xf32, #tpu.memory_space<vmem>>, vector<1x64x1xf32>
    %get3A_49 = vector.shape_cast %get3A_48 : vector<1x64x1xf32> to vector<64x1xf32>
    %get3A_50 = arith.constant 2 : index
    %get3A_51 = arith.constant 0 : index
    %get3A_52 = arith.constant 0 : index
    %get3A_53 = vector.load %arg1[%get3A_50, %get3A_51, %get3A_52] : memref<10x64x4096xf32, #tpu.memory_space<vmem>>, vector<1x64x4096xf32>
    %get3A_54 = vector.shape_cast %get3A_53 : vector<1x64x4096xf32> to vector<64x4096xf32>
    %broadcast_in_dim3A_55 = vector.shape_cast %get3A_49 : vector<64x1xf32> to vector<64x1xf32>
    %broadcast_in_dim3A_56 = vector.broadcast %broadcast_in_dim3A_55 : vector<64x1xf32> to vector<64x4096xf32>
    %add3A_57 = arith.addf %get3A_54, %broadcast_in_dim3A_56 : vector<64x4096xf32>
    %swap3A_58 = arith.constant 2 : index
    %swap3A_59 = arith.constant 0 : index
    %swap3A_60 = arith.constant 0 : index
    %swap3A_61 = vector.load %arg3[%swap3A_58, %swap3A_59, %swap3A_60] : memref<10x64x4096xf32, #tpu.memory_space<vmem>>, vector<1x64x4096xf32>
    %swap3A_62 = vector.shape_cast %swap3A_61 : vector<1x64x4096xf32> to vector<64x4096xf32>
    %swap3A_63 = vector.shape_cast %add3A_57 : vector<64x4096xf32> to vector<1x64x4096xf32>
    tpu.vector_store %arg3[%swap3A_58, %swap3A_59, %swap3A_60], %swap3A_63 {strides = array<i32>} : memref<10x64x4096xf32, #tpu.memory_space<vmem>>, vector<1x64x4096xf32>,
    %mul3A_64 = arith.constant 10 : i32
    %mul3A_65 = arith.muli %arg0, %mul3A_64 : i32
    %add3A_66 = arith.constant 3 : i32
    %add3A_67 = arith.addi %mul3A_65, %add3A_66 : i32
    %get3A_68 = arith.index_cast %add3A_67 : i32 to index
    %get3A_69 = arith.constant 0 : index
    %get3A_70 = arith.constant 0 : index
    %get3A_71 = vector.load %arg2[%get3A_68, %get3A_69, %get3A_70] : memref<200x64x1xf32, #tpu.memory_space<vmem>>, vector<1x64x1xf32>
    %get3A_72 = vector.shape_cast %get3A_71 : vector<1x64x1xf32> to vector<64x1xf32>
    %get3A_73 = arith.constant 3 : index
    %get3A_74 = arith.constant 0 : index
    %get3A_75 = arith.constant 0 : index
    %get3A_76 = vector.load %arg1[%get3A_73, %get3A_74, %get3A_75] : memref<10x64x4096xf32, #tpu.memory_space<vmem>>, vector<1x64x4096xf32>
    %get3A_77 = vector.shape_cast %get3A_76 : vector<1x64x4096xf32> to vector<64x4096xf32>
    %broadcast_in_dim3A_78 = vector.shape_cast %get3A_72 : vector<64x1xf32> to vector<64x1xf32>
    %broadcast_in_dim3A_79 = vector.broadcast %broadcast_in_dim3A_78 : vector<64x1xf32> to vector<64x4096xf32>
    %add3A_80 = arith.addf %get3A_77, %broadcast_in_dim3A_79 : vector<64x4096xf32>
    %swap3A_81 = arith.constant 3 : index
    %swap3A_82 = arith.constant 0 : index
    %swap3A_83 = arith.constant 0 : index
    %swap3A_84 = vector.load %arg3[%swap3A_81, %swap3A_82, %swap3A_83] : memref<10x64x4096xf32, #tpu.memory_space<vmem>>, vector<1x64x4096xf32>
    %swap3A_85 = vector.shape_cast %swap3A_84 : vector<1x64x4096xf32> to vector<64x4096xf32>
    %swap3A_86 = vector.shape_cast %add3A_80 : vector<64x4096xf32> to vector<1x64x4096xf32>
    tpu.vector_store %arg3[%swap3A_81, %swap3A_82, %swap3A_83], %swap3A_86 {strides = array<i32>} : memref<10x64x4096xf32, #tpu.memory_space<vmem>>, vector<1x64x4096xf32>,
    %mul3A_87 = arith.constant 10 : i32
    %mul3A_88 = arith.muli %arg0, %mul3A_87 : i32
    %add3A_89 = arith.constant 4 : i32
    %add3A_90 = arith.addi %mul3A_88, %add3A_89 : i32
    %get3A_91 = arith.index_cast %add3A_90 : i32 to index
    %get3A_92 = arith.constant 0 : index
    %get3A_93 = arith.constant 0 : index
    %get3A_94 = vector.load %arg2[%get3A_91, %get3A_92, %get3A_93] : memref<200x64x1xf32, #tpu.memory_space<vmem>>, vector<1x64x1xf32>
    %get3A_95 = vector.shape_cast %get3A_94 : vector<1x64x1xf32> to vector<64x1xf32>
    %get3A_96 = arith.constant 4 : index
    %get3A_97 = arith.constant 0 : index
    %get3A_98 = arith.constant 0 : index
    %get3A_99 = vector.load %arg1[%get3A_96, %get3A_97, %get3A_98] : memref<10x64x4096xf32, #tpu.memory_space<vmem>>, vector<1x64x4096xf32>
    %get3A_100 = vector.shape_cast %get3A_99 : vector<1x64x4096xf32> to vector<64x4096xf32>
    %broadcast_in_dim3A_101 = vector.shape_cast %get3A_95 : vector<64x1xf32> to vector<64x1xf32>
    %broadcast_in_dim3A_102 = vector.broadcast %broadcast_in_dim3A_101 : vector<64x1xf32> to vector<64x4096xf32>
    %add3A_103 = arith.addf %get3A_100, %broadcast_in_dim3A_102 : vector<64x4096xf32>
    %swap3A_104 = arith.constant 4 : index
    %swap3A_105 = arith.constant 0 : index
    %swap3A_106 = arith.constant 0 : index
    %swap3A_107 = vector.load %arg3[%swap3A_104, %swap3A_105, %swap3A_106] : memref<10x64x4096xf32, #tpu.memory_space<vmem>>, vector<1x64x4096xf32>
    %swap3A_108 = vector.shape_cast %swap3A_107 : vector<1x64x4096xf32> to vector<64x4096xf32>
    %swap3A_109 = vector.shape_cast %add3A_103 : vector<64x4096xf32> to vector<1x64x4096xf32>
    tpu.vector_store %arg3[%swap3A_104, %swap3A_105, %swap3A_106], %swap3A_109 {strides = array<i32>} : memref<10x64x4096xf32, #tpu.memory_space<vmem>>, vector<1x64x4096xf32>,
    %mul3A_110 = arith.constant 10 : i32
    %mul3A_111 = arith.muli %arg0, %mul3A_110 : i32
    %add3A_112 = arith.constant 5 : i32
    %add3A_113 = arith.addi %mul3A_111, %add3A_112 : i32
    %get3A_114 = arith.index_cast %add3A_113 : i32 to index
    %get3A_115 = arith.constant 0 : index
    %get3A_116 = arith.constant 0 : index
    %get3A_117 = vector.load %arg2[%get3A_114, %get3A_115, %get3A_116] : memref<200x64x1xf32, #tpu.memory_space<vmem>>, vector<1x64x1xf32>
    %get3A_118 = vector.shape_cast %get3A_117 : vector<1x64x1xf32> to vector<64x1xf32>
    %get3A_119 = arith.constant 5 : index
    %get3A_120 = arith.constant 0 : index
    %get3A_121 = arith.constant 0 : index
    %get3A_122 = vector.load %arg1[%get3A_119, %get3A_120, %get3A_121] : memref<10x64x4096xf32, #tpu.memory_space<vmem>>, vector<1x64x4096xf32>
    %get3A_123 = vector.shape_cast %get3A_122 : vector<1x64x4096xf32> to vector<64x4096xf32>
    %broadcast_in_dim3A_124 = vector.shape_cast %get3A_118 : vector<64x1xf32> to vector<64x1xf32>
    %broadcast_in_dim3A_125 = vector.broadcast %broadcast_in_dim3A_124 : vector<64x1xf32> to vector<64x4096xf32>
    %add3A_126 = arith.addf %get3A_123, %broadcast_in_dim3A_125 : vector<64x4096xf32>
    %swap3A_127 = arith.constant 5 : index
    %swap3A_128 = arith.constant 0 : index
    %swap3A_129 = arith.constant 0 : index
    %swap3A_130 = vector.load %arg3[%swap3A_127, %swap3A_128, %swap3A_129] : memref<10x64x4096xf32, #tpu.memory_space<vmem>>, vector<1x64x4096xf32>
    %swap3A_131 = vector.shape_cast %swap3A_130 : vector<1x64x4096xf32> to vector<64x4096xf32>
    %swap3A_132 = vector.shape_cast %add3A_126 : vector<64x4096xf32> to vector<1x64x4096xf32>
    tpu.vector_store %arg3[%swap3A_127, %swap3A_128, %swap3A_129], %swap3A_132 {strides = array<i32>} : memref<10x64x4096xf32, #tpu.memory_space<vmem>>, vector<1x64x4096xf32>,
    %mul3A_133 = arith.constant 10 : i32
    %mul3A_134 = arith.muli %arg0, %mul3A_133 : i32
    %add3A_135 = arith.constant 6 : i32
    %add3A_136 = arith.addi %mul3A_134, %add3A_135 : i32
    %get3A_137 = arith.index_cast %add3A_136 : i32 to index
    %get3A_138 = arith.constant 0 : index
    %get3A_139 = arith.constant 0 : index
    %get3A_140 = vector.load %arg2[%get3A_137, %get3A_138, %get3A_139] : memref<200x64x1xf32, #tpu.memory_space<vmem>>, vector<1x64x1xf32>
    %get3A_141 = vector.shape_cast %get3A_140 : vector<1x64x1xf32> to vector<64x1xf32>
    %get3A_142 = arith.constant 6 : index
    %get3A_143 = arith.constant 0 : index
    %get3A_144 = arith.constant 0 : index
    %get3A_145 = vector.load %arg1[%get3A_142, %get3A_143, %get3A_144] : memref<10x64x4096xf32, #tpu.memory_space<vmem>>, vector<1x64x4096xf32>
    %get3A_146 = vector.shape_cast %get3A_145 : vector<1x64x4096xf32> to vector<64x4096xf32>
    %broadcast_in_dim3A_147 = vector.shape_cast %get3A_141 : vector<64x1xf32> to vector<64x1xf32>
    %broadcast_in_dim3A_148 = vector.broadcast %broadcast_in_dim3A_147 : vector<64x1xf32> to vector<64x4096xf32>
    %add3A_149 = arith.addf %get3A_146, %broadcast_in_dim3A_148 : vector<64x4096xf32>
    %swap3A_150 = arith.constant 6 : index
    %swap3A_151 = arith.constant 0 : index
    %swap3A_152 = arith.constant 0 : index
    %swap3A_153 = vector.load %arg3[%swap3A_150, %swap3A_151, %swap3A_152] : memref<10x64x4096xf32, #tpu.memory_space<vmem>>, vector<1x64x4096xf32>
    %swap3A_154 = vector.shape_cast %swap3A_153 : vector<1x64x4096xf32> to vector<64x4096xf32>
    %swap3A_155 = vector.shape_cast %add3A_149 : vector<64x4096xf32> to vector<1x64x4096xf32>
    tpu.vector_store %arg3[%swap3A_150, %swap3A_151, %swap3A_152], %swap3A_155 {strides = array<i32>} : memref<10x64x4096xf32, #tpu.memory_space<vmem>>, vector<1x64x4096xf32>,
    %mul3A_156 = arith.constant 10 : i32
    %mul3A_157 = arith.muli %arg0, %mul3A_156 : i32
    %add3A_158 = arith.constant 7 : i32
    %add3A_159 = arith.addi %mul3A_157, %add3A_158 : i32
    %get3A_160 = arith.index_cast %add3A_159 : i32 to index
    %get3A_161 = arith.constant 0 : index
    %get3A_162 = arith.constant 0 : index
    %get3A_163 = vector.load %arg2[%get3A_160, %get3A_161, %get3A_162] : memref<200x64x1xf32, #tpu.memory_space<vmem>>, vector<1x64x1xf32>
    %get3A_164 = vector.shape_cast %get3A_163 : vector<1x64x1xf32> to vector<64x1xf32>
    %get3A_165 = arith.constant 7 : index
    %get3A_166 = arith.constant 0 : index
    %get3A_167 = arith.constant 0 : index
    %get3A_168 = vector.load %arg1[%get3A_165, %get3A_166, %get3A_167] : memref<10x64x4096xf32, #tpu.memory_space<vmem>>, vector<1x64x4096xf32>
    %get3A_169 = vector.shape_cast %get3A_168 : vector<1x64x4096xf32> to vector<64x4096xf32>
    %broadcast_in_dim3A_170 = vector.shape_cast %get3A_164 : vector<64x1xf32> to vector<64x1xf32>
    %broadcast_in_dim3A_171 = vector.broadcast %broadcast_in_dim3A_170 : vector<64x1xf32> to vector<64x4096xf32>
    %add3A_172 = arith.addf %get3A_169, %broadcast_in_dim3A_171 : vector<64x4096xf32>
    %swap3A_173 = arith.constant 7 : index
    %swap3A_174 = arith.constant 0 : index
    %swap3A_175 = arith.constant 0 : index
    %swap3A_176 = vector.load %arg3[%swap3A_173, %swap3A_174, %swap3A_175] : memref<10x64x4096xf32, #tpu.memory_space<vmem>>, vector<1x64x4096xf32>
    %swap3A_177 = vector.shape_cast %swap3A_176 : vector<1x64x4096xf32> to vector<64x4096xf32>
    %swap3A_178 = vector.shape_cast %add3A_172 : vector<64x4096xf32> to vector<1x64x4096xf32>
    tpu.vector_store %arg3[%swap3A_173, %swap3A_174, %swap3A_175], %swap3A_178 {strides = array<i32>} : memref<10x64x4096xf32, #tpu.memory_space<vmem>>, vector<1x64x4096xf32>,
    %mul3A_179 = arith.constant 10 : i32
    %mul3A_180 = arith.muli %arg0, %mul3A_179 : i32
    %add3A_181 = arith.constant 8 : i32
    %add3A_182 = arith.addi %mul3A_180, %add3A_181 : i32
    %get3A_183 = arith.index_cast %add3A_182 : i32 to index
    %get3A_184 = arith.constant 0 : index
    %get3A_185 = arith.constant 0 : index
    %get3A_186 = vector.load %arg2[%get3A_183, %get3A_184, %get3A_185] : memref<200x64x1xf32, #tpu.memory_space<vmem>>, vector<1x64x1xf32>
    %get3A_187 = vector.shape_cast %get3A_186 : vector<1x64x1xf32> to vector<64x1xf32>
    %get3A_188 = arith.constant 8 : index
    %get3A_189 = arith.constant 0 : index
    %get3A_190 = arith.constant 0 : index
    %get3A_191 = vector.load %arg1[%get3A_188, %get3A_189, %get3A_190] : memref<10x64x4096xf32, #tpu.memory_space<vmem>>, vector<1x64x4096xf32>
    %get3A_192 = vector.shape_cast %get3A_191 : vector<1x64x4096xf32> to vector<64x4096xf32>
    %broadcast_in_dim3A_193 = vector.shape_cast %get3A_187 : vector<64x1xf32> to vector<64x1xf32>
    %broadcast_in_dim3A_194 = vector.broadcast %broadcast_in_dim3A_193 : vector<64x1xf32> to vector<64x4096xf32>
    %add3A_195 = arith.addf %get3A_192, %broadcast_in_dim3A_194 : vector<64x4096xf32>
    %swap3A_196 = arith.constant 8 : index
    %swap3A_197 = arith.constant 0 : index
    %swap3A_198 = arith.constant 0 : index
    %swap3A_199 = vector.load %arg3[%swap3A_196, %swap3A_197, %swap3A_198] : memref<10x64x4096xf32, #tpu.memory_space<vmem>>, vector<1x64x4096xf32>
    %swap3A_200 = vector.shape_cast %swap3A_199 : vector<1x64x4096xf32> to vector<64x4096xf32>
    %swap3A_201 = vector.shape_cast %add3A_195 : vector<64x4096xf32> to vector<1x64x4096xf32>
    tpu.vector_store %arg3[%swap3A_196, %swap3A_197, %swap3A_198], %swap3A_201 {strides = array<i32>} : memref<10x64x4096xf32, #tpu.memory_space<vmem>>, vector<1x64x4096xf32>,
    %mul3A_202 = arith.constant 10 : i32
    %mul3A_203 = arith.muli %arg0, %mul3A_202 : i32
    %add3A_204 = arith.constant 9 : i32
    %add3A_205 = arith.addi %mul3A_203, %add3A_204 : i32
    %get3A_206 = arith.index_cast %add3A_205 : i32 to index
    %get3A_207 = arith.constant 0 : index
    %get3A_208 = arith.constant 0 : index
    %get3A_209 = vector.load %arg2[%get3A_206, %get3A_207, %get3A_208] : memref<200x64x1xf32, #tpu.memory_space<vmem>>, vector<1x64x1xf32>
    %get3A_210 = vector.shape_cast %get3A_209 : vector<1x64x1xf32> to vector<64x1xf32>
    %get3A_211 = arith.constant 9 : index
    %get3A_212 = arith.constant 0 : index
    %get3A_213 = arith.constant 0 : index
    %get3A_214 = vector.load %arg1[%get3A_211, %get3A_212, %get3A_213] : memref<10x64x4096xf32, #tpu.memory_space<vmem>>, vector<1x64x4096xf32>
    %get3A_215 = vector.shape_cast %get3A_214 : vector<1x64x4096xf32> to vector<64x4096xf32>
    %broadcast_in_dim3A_216 = vector.shape_cast %get3A_210 : vector<64x1xf32> to vector<64x1xf32>
    %broadcast_in_dim3A_217 = vector.broadcast %broadcast_in_dim3A_216 : vector<64x1xf32> to vector<64x4096xf32>
    %add3A_218 = arith.addf %get3A_215, %broadcast_in_dim3A_217 : vector<64x4096xf32>
    %swap3A_219 = arith.constant 9 : index
    %swap3A_220 = arith.constant 0 : index
    %swap3A_221 = arith.constant 0 : index
    %swap3A_222 = vector.load %arg3[%swap3A_219, %swap3A_220, %swap3A_221] : memref<10x64x4096xf32, #tpu.memory_space<vmem>>, vector<1x64x4096xf32>
    %swap3A_223 = vector.shape_cast %swap3A_222 : vector<1x64x4096xf32> to vector<64x4096xf32>
    %swap3A_224 = vector.shape_cast %add3A_218 : vector<64x4096xf32> to vector<1x64x4096xf32>
    tpu.vector_store %arg3[%swap3A_219, %swap3A_220, %swap3A_221], %swap3A_224 {strides = array<i32>} : memref<10x64x4096xf32, #tpu.memory_space<vmem>>, vector<1x64x4096xf32>,
    return
  }
  func.func @transform_0(%arg0: i32) -> (i32, i32, i32) {
    %c0_i32 = arith.constant 0 : i32
    %c0_i32_0 = arith.constant 0 : i32
    %c0_i32_1 = arith.constant 0 : i32
    return %arg0, %c0_i32, %c0_i32_0 : i32, i32, i32
  }
  func.func @transform_1(%arg0: i32) -> (i32, i32, i32) {
    %c0_i32 = arith.constant 0 : i32
    %c0_i32_0 = arith.constant 0 : i32
    %c0_i32_1 = arith.constant 0 : i32
    %c0_i32_2 = arith.constant 0 : i32
    return %c0_i32, %c0_i32_0, %c0_i32_1 : i32, i32, i32
  }
  func.func @transform_2(%arg0: i32) -> (i32, i32, i32) {
    %c0_i32 = arith.constant 0 : i32
    %c0_i32_0 = arith.constant 0 : i32
    %c0_i32_1 = arith.constant 0 : i32
    return %arg0, %c0_i32, %c0_i32_0 : i32, i32, i32
  }
}

</mosaic_0001>

<sc_bundles>
// kernel: kernel.4.cloned.1.call-start
scs
__scs_entry_jumppad:
0x0: {  	(pc) =	sbr.rel $0x88, $3  }
0x1: {  	(tag) =	ssettag $0x0;
	lr =	simm.s32 $0x1  }
0x2: {  	[smem:$0x3F9F] =	sst lr;
	_ =	strace $0xD0000000  }
0x3: {  	_ = 	snop  }
0x4: {  	_ = 	snop  }
0x5: {  	_ = 	snop  }
0x6: {  	_ = 	snop  }
0x7: {  	_ = 	snop  }
__scs_overlays_trampoline_lowered:
0x8: {  	[smem:$0x3FAE] =	sst s0  }
0x9: {  	[smem:$0x3FAF] =	sst s1  }
0xa: {  	[smem:$0x3FB0] =	sst s2  }
0xb: {  	[smem:$0x3FB1] =	sst s3  }
0xc: {  	[smem:$0x3FB2] =	sst s4  }
0xd: {  	[smem:$0x3FB3] =	sst s5  }
0xe: {  	[smem:$0x3FB4] =	sst s6  }
0xf: {  	[smem:$0x3FB5] =	sst s7  }
0x10: {  	[smem:$0x3FB6] =	sst s8  }
0x11: {  	[smem:$0x3FB7] =	sst s9;
	s0 =	simm.s32 @!p0 $0x0  }
0x12: {  	s1 =	sld [smem:$0x3F9D];
	s0 =	simm.s32 @p0 $0x1  }
0x13: {  	[smem:$0x3FB8] =	sst s0;
	s0 =	simm.s32 @!p1 $0x0  }
0x14: {  	s2 =	sld [smem:$0x3F9C];
	s0 =	simm.s32 @p1 $0x1  }
0x15: {  	[smem:$0x3FB9] =	sst s0;
	s0 =	simm.s32 @!p2 $0x0  }
0x16: {  	s3 =	sld [smem:$0x3FDB];
	s0 =	simm.s32 @p2 $0x1  }
0x17: {  	s4 =	simm.s32 $0x1BF5;
	[smem:$0x3FBB] =	sst s0  }
0x18: {  	s0 =	sld [smem:$0x3F9E];
	_ =	swait.ge [sflag:s4], $0x0  }
0x19: {  	s7 =	sld [smem:$0x3F9F]  }
0x1a: {  	s8 =	sadd.s32 $0xFFFFE003, lr  }
0x1b: {  	s9 =	sadd.s32 $0xFFFFFEF7, lr;
	s5 =	simm.s32 $0xFFFFFFFF;
	p2 =	slt.u32 s8, $0xFFFFF086  }
0x1c: {  	p1 =	slt.u32 s9, $0xF7A;
	s5 =	simm.s32 @!p2 $0x0  }
0x1d: {  	s5 =	simm.s32 @p1 $0x1;
	p0 =	seq.s32 s7, s2  }
0x1e: {  	s7 =	smul.u32 @!p0 $0xF7A, s2;
	p2 =	seq.s32 @!p0 s5, $0x0  }
0x1f: {  	s9 =	smul.u32 $0xF7A, s1;
	s8 =	simm.s32 @!p0 $0x1BF5;
	p2 =	por !p2, p0  }
0x20: {  	[sflag:s8] =	ssyncset.s32 @!p0 $0xFFFFF086;
	s6 =	sadd.s32 @!p0 s3, s7;
	s7 =	simm.s32 @!p0 $0x108  }
0x21: {  	s3 =	sadd.s32 s3, s9;
	s6 =	sadd.s32 @!p0 $0x88, s6;
	s7 =	simm.s32 @p2 $0x1082  }
0x22: {  	[simem:s7], [sflag:s8] =	dma.local @!p0 [hbm:s6], $0xF7A  }
0x23: {  	s9 =	sor.u32 $0xD0000000, s2;
	s6 =	simm.s32 $0x108;
	_ =	swait.ge @!p0 [sflag:s8], $0x0  }
0x24: {  	s3 =	sadd.s32 $0x88, s3;
	s6 =	simm.s32 @!p1 $0x1082;
	[sflag:s4] =	ssyncset.s32 $0xFFFFF086  }
0x25: {  	[simem:s6], [sflag:s4] =	dma.local [hbm:s3], $0xF7A  }
0x26: {  	[smem:$0x3F9F] =	sst s1;
	(tag) =	ssettag s2;
	_ =	strace s9  }
0x27: {  	s1 =	sld [smem:$0x3FAF]  }
0x28: {  	s2 =	sld [smem:$0x3FB0]  }
0x29: {  	s4 =	sld [smem:$0x3FB2]  }
0x2a: {  	p0 =	seq.s32 s5, $0x0;
	s5 =	sld [smem:$0x3FB3]  }
0x2b: {  	s6 =	sld [smem:$0x3FB4]  }
0x2c: {  	s7 =	sld [smem:$0x3FB5]  }
0x2d: {  	s3 =	simm.s32 $0x108;
	s8 =	sld [smem:$0x3FB6]  }
0x2e: {  	s3 =	simm.s32 @!p0 $0x1082;
	s9 =	sld [smem:$0x3FB7]  }
0x2f: {  	lr =	sadd.s32 s0, s3;
	s0 =	sld [smem:$0x3FAE]  }
0x30: {  	s3 =	sld [smem:$0x3FB1]  }
0x31: {  	[smem:$0x3FBA] =	sst s10  }
0x32: {  	s10 =	sld [smem:$0x3FB8];
	_ =	sdelay $0x3  }
0x33: {  	p0 =	seq.s32 s10, $0x1;
	s10 =	sld [smem:$0x3FBA];
	_ =	sdelay $0x3  }
0x34: {  	[smem:$0x3FBA] =	sst s10  }
0x35: {  	s10 =	sld [smem:$0x3FB9];
	_ =	sdelay $0x3  }
0x36: {  	p1 =	seq.s32 s10, $0x1;
	s10 =	sld [smem:$0x3FBA];
	_ =	sdelay $0x3  }
0x37: {  	[smem:$0x3FBA] =	sst s10  }
0x38: {  	s10 =	sld [smem:$0x3FBB]  }
0x39: {  	_ = 	snop;
	(pc) =	sbr.ind lr, $3  }
0x3a: {  	_ = 	snop  }
0x3b: {  	_ = 	snop  }
0x3c: {  	p2 =	seq.s32 s10, $0x1;
	s10 =	sld [smem:$0x3FBA]  }
0x3d: {  	_ =	shalt  }
0x3e: {  	_ =	shalt  }
0x3f: {  	_ =	shalt  }
0x40: {  	_ =	shalt  }
0x41: {  	_ =	shalt  }
0x42: {  	_ =	shalt  }
0x43: {  	_ =	shalt  }
0x44: {  	_ =	shalt  }
0x45: {  	_ =	shalt  }
0x46: {  	_ =	shalt  }
0x47: {  	_ =	shalt  }
0x48: {  	_ =	shalt  }
0x49: {  	_ =	shalt  }
0x4a: {  	_ =	shalt  }
0x4b: {  	_ =	shalt  }
0x4c: {  	_ =	shalt  }
0x4d: {  	_ =	shalt  }
0x4e: {  	_ =	shalt  }
0x4f: {  	_ =	shalt  }
0x50: {  	_ =	shalt  }
0x51: {  	_ =	shalt  }
0x52: {  	_ =	shalt  }
0x53: {  	_ =	shalt  }
0x54: {  	_ =	shalt  }
0x55: {  	_ =	shalt  }
0x56: {  	_ =	shalt  }
0x57: {  	_ =	shalt  }
0x58: {  	_ =	shalt  }
0x59: {  	_ =	shalt  }
0x5a: {  	_ =	shalt  }
0x5b: {  	_ =	shalt  }
0x5c: {  	_ =	shalt  }
0x5d: {  	_ =	shalt  }
0x5e: {  	_ =	shalt  }
0x5f: {  	_ =	shalt  }
0x60: {  	_ =	shalt  }
0x61: {  	_ =	shalt  }
0x62: {  	_ =	shalt  }
0x63: {  	_ =	shalt  }
0x64: {  	_ =	shalt  }
0x65: {  	_ =	shalt  }
0x66: {  	_ =	shalt  }
0x67: {  	_ =	shalt  }
0x68: {  	_ =	shalt  }
0x69: {  	_ =	shalt  }
0x6a: {  	_ =	shalt  }
0x6b: {  	_ =	shalt  }
0x6c: {  	_ =	shalt  }
0x6d: {  	_ =	shalt  }
0x6e: {  	_ =	shalt  }
0x6f: {  	_ =	shalt  }
0x70: {  	_ =	shalt  }
0x71: {  	_ =	shalt  }
0x72: {  	_ =	shalt  }
0x73: {  	_ =	shalt  }
0x74: {  	_ =	shalt  }
0x75: {  	_ =	shalt  }
0x76: {  	_ =	shalt  }
0x77: {  	_ =	shalt  }
0x78: {  	_ =	shalt  }
0x79: {  	_ =	shalt  }
0x7a: {  	_ =	shalt  }
0x7b: {  	_ =	shalt  }
0x7c: {  	_ =	shalt  }
0x7d: {  	_ =	shalt  }
0x7e: {  	_ =	shalt  }
0x7f: {  	_ =	shalt  }
0x80: {  	_ =	shalt  }
0x81: {  	_ =	shalt  }
0x82: {  	_ =	shalt  }
0x83: {  	_ =	shalt  }
0x84: {  	_ =	shalt  }
0x85: {  	_ =	shalt  }
0x86: {  	_ =	shalt  }
0x87: {  	_ =	shalt  }
.Lfunc_end0:
.L_simem_size_0:
called_computation_lowered:
.L_overlay_start_0:
0x88: {  	s2 =	sld [smem:$0x3FD9]  }
0x89: {  	s3 =	sld [smem:$0x3FFE];
	_ =	sdelay $0x1  }
0x8a: {  	s1 =	srdreg.scid  }
0x8b: {  	s0 =	sand.u32 $0x1, s1  }
0x8c: {  	s17 =	sshll.u32 s0, $0xA;
	s2 =	sadd.s32 s3, s2  }
0x8d: {  	s2 =	sadd.s32 s2, s17  }
0x8e: {  	[smem:$0x3FC6] =	sst s2  }
0x8f: {  	_ = 	snop  }
0x90: {  	s2 =	sld [smem:$0x3FD0];
	(tm) =	ssettm $0x1  }
0x91: {  	s18 =	sld [smem:$0x3FFB];
	_ =	sdelay $0x3  }
0x92: {  	_ =	strace s18  }
0x93: {  	s3 =	sld [smem:$0x3FFC];
	_ =	sdelay $0x3  }
0x94: {  	_ =	strace s3  }
0x95: {  	s3 =	sld [smem:$0x3FFD];
	_ =	sdelay $0x3  }
0x96: {  	_ =	strace s3  }
0x97: {  	_ =	strace $0x8FFFFFFF  }
0x98: {  	s19 =	sld [smem:$0x3FDB];
	_ =	sdelay $0x1  }
0x99: {  	s4 =	simm.s32 $_scs_section_size  }
0x9a: {  	s5 =	simm.s32 $_size__tile_overlayer_lowered;
	s6 =	simm.s32 $_tile_overlayer_lowered  }
0x9b: {  	s22 =	simm.s32 $0x1BFF;
	s21 =	sshll.u32 s6, $0x1;
	s3 =	sadd.s32 s4, s19  }
0x9c: {  	s7 =	simm.s32 $0x0;
	s20 =	sshll.u32 s5, $0x1;
	s5 =	sadd.s32 s21, s3  }
0x9d: {  	[timem:s7], [sflag:s22] =	dma.local [hbm:s5], s20  }
0x9e: {  	_ =	swait.ge [sflag:s22], s20  }
0x9f: {  	s4 =	ssub.s32 $0x0, s20;
	[sflag:s22] =	ssyncset.done $0x0  }
0xa0: {  	[sflag:s22] =	ssyncadd.s32 s4;
	_ =	sdelay $0x1  }
0xa1: {  	s23 =	simm.s32 $0x1B8B  }
0xa2: {  	_ =	swait.ge [sflag:s23], $0x1  }
0xa3: {  	[sflag:s23] =	ssyncset.done $0x0  }
0xa4: {  	s25 =	simm.s32 $0x1B8E;
	s24 =	sld [smem:$0x3FFE];
	[sflag:s23] =	ssyncadd.s32 $0xFFFFFFFF  }
0xa5: {  	s26 =	simm.s32 $execute0_lowered;
	[smem:$0x3FD2] =	sst s25  }
0xa6: {  	s5 =	sshll.u32 s26, $0x1;
	_ =	strace $0x80000046;
	[dreg:$0x1] =	wrdreg $0xFFFFFFFF  }
0xa7: {  	s28 =	simm.s32 $_size_execute0_lowered;
	s3 =	sadd.s32 s3, s5;
	[dreg:$0x0] =	wrdreg $0x0  }
0xa8: {  	s5 =	sshll.u32 s28, $0x1;
	[dreg:$0x2] =	wrdreg s3  }
0xa9: {  	[dreg:$0x3] =	wrdreg s5  }
0xaa: {  	[dreg:$0x4] =	wrdreg $0xC0  }
0xab: {  	_ =	task [dreg:s7], $0x5FFFF  }
0xac: {  	[dreg:$0x1] =	wrdreg $0xFFFFFFFF  }
0xad: {  	[dreg:$0x0] =	wrdreg $0x60  }
0xae: {  	[dreg:$0x2] =	wrdreg s2  }
0xaf: {  	[dreg:$0x3] =	wrdreg s24  }
0xb0: {  	[dreg:$0x4] =	wrdreg $0x9  }
0xb1: {  	_ =	task.clear_ibuf [dreg:s7], $0x5FFFF;
	_ =	strace $0x90000046  }
0xb2: {  	s29 =	simm.s32 $0x9;
	_ =	strace $0x80000048  }
0xb3: {  	_ =	swait.ge [sflag:s29], $0x1  }
0xb4: {  	[sflag:s29] =	ssyncadd.s32 $0xFFFFFFFF  }
0xb5: {  	_ =	strace $0x90000048  }
0xb6: {  	_ =	sfence  }
0xb7: {  	s30 =	sld [smem:$0x0];
	_ =	sdelay $0x2  }
0xb8: {  	s31 =	sshll.u32 s1, $0xD;
	s1 =	sshrl.u32 s1, $0x2  }
0xb9: {  	s3 =	sand.u32 $0x4000, s31;
	s1 =	sadd.s32 s1, s30  }
0xba: {  	s0 =	sor.u32 s3, s0;
	s1 =	sshll.u32 s1, $0x11  }
0xbb: {  	s0 =	sor.u32 s1, s0  }
0xbc: {  	s0 =	sadd.s32 $0x8F2B, s0  }
0xbd: {  	[sflag:s0] =	ssyncadd.remote.s32 $0x1  }
0xbe: {  	_ =	sfence.sel $0xFFFF  }
0xbf: {  	[dreg:$0x0] =	wrdreg $0xFFFFFFFF;
	(pc) =	sbr.abs _section_cstart, $3  }
0xc0: {  	[dreg:$0x1] =	wrdreg $0xFFFFFFFF  }
0xc1: {  	_ =	task.clear_ibuf [dreg:s7], $0x2FFFF;
	_ =	strace $0x9FFFFFFF  }
0xc2: {  	(tm) =	ssettm $0x7FFFFFFF  }
0xc3: {  	_ =	shalt  }
tec
execute0_lowered:
.L_overlay_start_1:
0x0: {  	(tag) =	ssettag $0x1  }
0x1: {  	s1 =	srdreg.scid;
	s0 =	stileid.u32  }
0x2: {  	s2 =	rddreg [dreg:$0x0];
	s4 =	sand.u32 $0x1, s1;
	s5 =	sshll.u32 s0, $0x1  }
0x3: {  	s3 =	rddreg [dreg:$0x1];
	s6 =	simm.s32 $0x0;
	s16 =	sor.u32 s4, s5  }
0x4: {  	p2 =	por $0x0, $0x0;
	s1 =	rddreg [dreg:$0x2];
	s5 =	smul.u32 $0xF90, s16  }
0x5: {  	[smem:$0x7FF] =	sst s6;
	s4 =	ssub.s32 $0x2, s4;
	s17 =	smul.u32 $0x70, s16  }
0x6: {  	p0 =	sgt.u32 s0, $0xD;
	s7 =	smul.u32 $0xFFFFFC80, s16;
	s18 =	sshrl.u32 s4, $0x1  }
0x7: {  	_ =	strace $0x80000047;
	p1 =	sgt.u32 s16, $0x1C;
	s19 =	ssub.s32 s4, s18  }
0x8: {  	s5 =	sadd.s32 $0xC70, s5;
	s8 =	sadd.s32 s17, s3;
	s20 =	sadd.s32 $0x6300, s7  }
0x9: {  	s21 =	sadd.s32 $0x6280, s7;
	s22 =	sadd.s32 $0x6200, s7;
	s25 =	sadd.s32 $0x6180, s7  }
0xa: {  	s26 =	sadd.s32 $0x6100, s7;
	s28 =	sadd.s32 $0x6080, s7;
	s31 =	smax.u32 s19, $0x1  }
0xb: {  	s5 =	sand.u32 $0xFF0, s5;
	s3 =	sshrl.u32 s20, $0x3;
	s23 =	sshrl.u32 s21, $0x3  }
0xc: {  	s24 =	sshrl.u32 s22, $0x3;
	s29 =	sshrl.u32 s26, $0x3;
	s26 =	sadd.s32 $0xFFFFFFFF, s31  }
0xd: {  	s30 =	sshrl.u32 s28, $0x3;
	s4 =	sadd.s32 $0x420, s8;
	p3 =	sne.s32 s26, $0x0  }
.Ltmp0:
0xe: {  	s6 =	sadd.s32 $0x440, s8;
	s7 =	sadd.s32 $0x450, s8;
	(pc) =	sbr.rel @!p3 .LBB2_3-.Ltmp0, $4  }
0xf: {  	s9 =	sadd.s32 s2, s5;
	s10 =	sadd.s32 s2, s3;
	s12 =	sadd.s32 s2, s23  }
0x10: {  	s11 =	sadd.s32 s2, s24;
	s3 =	sshrl.u32 s25, $0x3;
	s15 =	sadd.s32 s2, s29  }
0x11: {  	s13 =	sadd.s32 s2, s30;
	s5 =	sadd.s32 $0x430, s8;
	s14 =	sadd.s32 s2, s3  }
0x12: {  	s2 =	sadd.s32 $0x400, s8;
	s3 =	sadd.s32 $0x410, s8;
	s8 =	sadd.s32 $0x460, s8  }
0x13: {  	s16 =	simm.s32 @!p1 $0x0  }
0x14: {  	[tilespmem:s16], [sflag:$0x1] =	stream.linear.gather @!p1 [hbm4b:s9+s16], $0x80, $0x38;
	[tilespmem:$0x400] =	vst v63  }
0x15: {  	s17 =	simm.s32 @!p1 $0x80  }
0x16: {  	[tilespmem:s17], [sflag:$0x1] =	stream.linear.gather @!p1 [hbm4b:s10+s16], $0x80, $0x38;
	[tilespmem:$0x400] =	vst v63  }
0x17: {  	s18 =	simm.s32 @!p1 $0x100  }
0x18: {  	[tilespmem:s18], [sflag:$0x1] =	stream.linear.gather @!p1 [hbm4b:s12+s16], $0x80, $0x38;
	[tilespmem:$0x400] =	vst v63  }
0x19: {  	s19 =	simm.s32 @!p1 $0x180  }
0x1a: {  	[tilespmem:s19], [sflag:$0x1] =	stream.linear.gather @!p1 [hbm4b:s11+s16], $0x80, $0x38;
	[tilespmem:$0x400] =	vst v63  }
0x1b: {  	s20 =	simm.s32 @!p0 $0x0;
	s21 =	simm.s32 @!p0 $0x200  }
0x1c: {  	[tilespmem:s21], [sflag:$0x1] =	stream.linear.gather @!p0 [hbm4b:s14+s20], $0x80, $0x38;
	[tilespmem:$0x400] =	vst v63  }
0x1d: {  	s22 =	simm.s32 @!p0 $0x280  }
0x1e: {  	[tilespmem:s22], [sflag:$0x1] =	stream.linear.gather @!p0 [hbm4b:s15+s20], $0x80, $0x38;
	[tilespmem:$0x400] =	vst v63  }
0x1f: {  	s23 =	simm.s32 @!p0 $0x300;
	s24 =	simm.s32 @!p1 $0x1  }
0x20: {  	[tilespmem:s23], [sflag:$0x1] =	stream.linear.gather @!p0 [hbm4b:s13+s20], $0x80, $0x38;
	[tilespmem:$0x400] =	vst v63  }
0x21: {  	_ =	swait.ge @!p1 [sflag:s24], $0x80  }
0x22: {  	[sflag:s24] =	ssyncset.done @!p1 $0x0  }
0x23: {  	[sflag:s24] =	ssyncadd.s32 @!p1 $0xFFFFFF80  }
0x24: {  	_ =	swait.ge @!p1 [sflag:s24], $0x80  }
0x25: {  	[sflag:s24] =	ssyncset.done @!p1 $0x0  }
0x26: {  	[sflag:s24] =	ssyncadd.s32 @!p1 $0xFFFFFF80  }
0x27: {  	_ =	swait.ge @!p1 [sflag:s24], $0x80  }
0x28: {  	[sflag:s24] =	ssyncset.done @!p1 $0x0  }
0x29: {  	[sflag:s24] =	ssyncadd.s32 @!p1 $0xFFFFFF80  }
0x2a: {  	_ =	swait.ge @!p1 [sflag:s24], $0x80  }
0x2b: {  	[sflag:s24] =	ssyncset.done @!p1 $0x0  }
0x2c: {  	s25 =	simm.s32 @!p0 $0x1;
	[sflag:s24] =	ssyncadd.s32 @!p1 $0xFFFFFF80  }
0x2d: {  	_ =	swait.ge @!p0 [sflag:s25], $0x80  }
0x2e: {  	[sflag:s25] =	ssyncset.done @!p0 $0x0  }
0x2f: {  	[sflag:s25] =	ssyncadd.s32 @!p0 $0xFFFFFF80  }
0x30: {  	_ =	swait.ge @!p0 [sflag:s25], $0x80  }
0x31: {  	[sflag:s25] =	ssyncset.done @!p0 $0x0  }
0x32: {  	[sflag:s25] =	ssyncadd.s32 @!p0 $0xFFFFFF80  }
0x33: {  	_ =	swait.ge @!p0 [sflag:s25], $0x80  }
0x34: {  	[sflag:s25] =	ssyncset.done @!p0 $0x0  }
0x35: {  	[sflag:s25] =	ssyncadd.s32 @!p0 $0xFFFFFF80  }
0x36: {  	[hbm4b:s2+s16] =	stream.linear.scatter @!p1 [tilespmem:s16], [sflag:$0x1], $0x80, $0x38;
	[tilespmem:$0x400] =	vst v63  }
0x37: {  	_ = 	snop  }
0x38: {  	[hbm4b:s3+s16] =	stream.linear.scatter @!p1 [tilespmem:s17], [sflag:$0x1], $0x80, $0x38;
	[tilespmem:$0x400] =	vst v63  }
0x39: {  	_ = 	snop  }
0x3a: {  	[hbm4b:s4+s16] =	stream.linear.scatter @!p1 [tilespmem:s18], [sflag:$0x1], $0x80, $0x38;
	[tilespmem:$0x400] =	vst v63  }
0x3b: {  	_ = 	snop  }
0x3c: {  	[hbm4b:s5+s16] =	stream.linear.scatter @!p1 [tilespmem:s19], [sflag:$0x1], $0x80, $0x38;
	[tilespmem:$0x400] =	vst v63  }
0x3d: {  	_ = 	snop  }
0x3e: {  	[hbm4b:s6+s20] =	stream.linear.scatter @!p0 [tilespmem:s21], [sflag:$0x1], $0x80, $0x38;
	[tilespmem:$0x400] =	vst v63  }
0x3f: {  	_ = 	snop  }
0x40: {  	[hbm4b:s7+s20] =	stream.linear.scatter @!p0 [tilespmem:s22], [sflag:$0x1], $0x80, $0x38;
	[tilespmem:$0x400] =	vst v63  }
0x41: {  	_ = 	snop  }
0x42: {  	[hbm4b:s8+s20] =	stream.linear.scatter @!p0 [tilespmem:s23], [sflag:$0x1], $0x80, $0x38;
	[tilespmem:$0x400] =	vst v63  }
0x43: {  	_ =	swait.ge @!p1 [sflag:s24], $0x80  }
0x44: {  	[sflag:s24] =	ssyncset.done @!p1 $0x0  }
0x45: {  	[sflag:s24] =	ssyncadd.s32 @!p1 $0xFFFFFF80  }
0x46: {  	_ =	swait.ge @!p1 [sflag:s24], $0x80  }
0x47: {  	[sflag:s24] =	ssyncset.done @!p1 $0x0  }
0x48: {  	[sflag:s24] =	ssyncadd.s32 @!p1 $0xFFFFFF80  }
0x49: {  	_ =	swait.ge @!p1 [sflag:s24], $0x80  }
0x4a: {  	[sflag:s24] =	ssyncset.done @!p1 $0x0  }
0x4b: {  	[sflag:s24] =	ssyncadd.s32 @!p1 $0xFFFFFF80  }
0x4c: {  	_ =	swait.ge @!p1 [sflag:s24], $0x80  }
0x4d: {  	[sflag:s24] =	ssyncset.done @!p1 $0x0  }
0x4e: {  	[sflag:s24] =	ssyncadd.s32 @!p1 $0xFFFFFF80  }
0x4f: {  	_ =	swait.ge @!p0 [sflag:s25], $0x80  }
0x50: {  	s26 =	sadd.s32 $0xFFFFFFFF, s26;
	[sflag:s25] =	ssyncset.done @!p0 $0x0  }
0x51: {  	p3 =	sne.s32 s26, $0x0;
	[sflag:s25] =	ssyncadd.s32 @!p0 $0xFFFFFF80  }
.Ltmp1:
0x52: {  	_ =	swait.ge @!p0 [sflag:s25], $0x80;
	(pc) =	sbr.rel @!p3 .LBB2_3-.Ltmp1, $4  }
0x53: {  	[sflag:s25] =	ssyncset.done @!p0 $0x0  }
0x54: {  	[sflag:s25] =	ssyncadd.s32 @!p0 $0xFFFFFF80  }
0x55: {  	_ =	swait.ge @!p0 [sflag:s25], $0x80  }
0x56: {  	p2 =	por $0x1, $0x1;
	[sflag:s25] =	ssyncset.done @!p0 $0x0  }
.LBB2_2:
0x57: {  	s26 =	sadd.s32 $0xFFFFFFFF, s26;
	[sflag:s25] =	ssyncadd.s32 @!p0 $0xFFFFFF80  }
0x58: {  	[tilespmem:s16], [sflag:$0x1] =	stream.linear.gather @!p1 [hbm4b:s9+s16], $0x80, $0x38;
	[tilespmem:$0x400] =	vst v63  }
0x59: {  	p3 =	sne.s32 s26, $0x0  }
0x5a: {  	[tilespmem:s17], [sflag:$0x1] =	stream.linear.gather @!p1 [hbm4b:s10+s16], $0x80, $0x38;
	[tilespmem:$0x400] =	vst v63  }
0x5b: {  	_ = 	snop  }
0x5c: {  	[tilespmem:s18], [sflag:$0x1] =	stream.linear.gather @!p1 [hbm4b:s12+s16], $0x80, $0x38;
	[tilespmem:$0x400] =	vst v63  }
0x5d: {  	_ = 	snop  }
0x5e: {  	[tilespmem:s19], [sflag:$0x1] =	stream.linear.gather @!p1 [hbm4b:s11+s16], $0x80, $0x38;
	[tilespmem:$0x400] =	vst v63  }
0x5f: {  	_ = 	snop  }
0x60: {  	[tilespmem:s21], [sflag:$0x1] =	stream.linear.gather @!p0 [hbm4b:s14+s20], $0x80, $0x38;
	[tilespmem:$0x400] =	vst v63  }
0x61: {  	_ = 	snop  }
0x62: {  	[tilespmem:s22], [sflag:$0x1] =	stream.linear.gather @!p0 [hbm4b:s15+s20], $0x80, $0x38;
	[tilespmem:$0x400] =	vst v63  }
0x63: {  	_ = 	snop  }
0x64: {  	[tilespmem:s23], [sflag:$0x1] =	stream.linear.gather @!p0 [hbm4b:s13+s20], $0x80, $0x38;
	[tilespmem:$0x400] =	vst v63  }
0x65: {  	_ =	swait.ge @!p1 [sflag:s24], $0x80  }
0x66: {  	[sflag:s24] =	ssyncset.done @!p1 $0x0  }
0x67: {  	[sflag:s24] =	ssyncadd.s32 @!p1 $0xFFFFFF80  }
0x68: {  	_ =	swait.ge @!p1 [sflag:s24], $0x80  }
0x69: {  	[sflag:s24] =	ssyncset.done @!p1 $0x0  }
0x6a: {  	[sflag:s24] =	ssyncadd.s32 @!p1 $0xFFFFFF80  }
0x6b: {  	_ =	swait.ge @!p1 [sflag:s24], $0x80  }
0x6c: {  	[sflag:s24] =	ssyncset.done @!p1 $0x0  }
0x6d: {  	[sflag:s24] =	ssyncadd.s32 @!p1 $0xFFFFFF80  }
0x6e: {  	_ =	swait.ge @!p1 [sflag:s24], $0x80  }
0x6f: {  	[sflag:s24] =	ssyncset.done @!p1 $0x0  }
0x70: {  	[sflag:s24] =	ssyncadd.s32 @!p1 $0xFFFFFF80  }
0x71: {  	_ =	swait.ge @!p0 [sflag:s25], $0x80  }
0x72: {  	[sflag:s25] =	ssyncset.done @!p0 $0x0  }
0x73: {  	[sflag:s25] =	ssyncadd.s32 @!p0 $0xFFFFFF80  }
0x74: {  	_ =	swait.ge @!p0 [sflag:s25], $0x80  }
0x75: {  	[sflag:s25] =	ssyncset.done @!p0 $0x0  }
0x76: {  	[sflag:s25] =	ssyncadd.s32 @!p0 $0xFFFFFF80  }
0x77: {  	_ =	swait.ge @!p0 [sflag:s25], $0x80  }
0x78: {  	[sflag:s25] =	ssyncset.done @!p0 $0x0  }
0x79: {  	[sflag:s25] =	ssyncadd.s32 @!p0 $0xFFFFFF80  }
0x7a: {  	[hbm4b:s2+s16] =	stream.linear.scatter @!p1 [tilespmem:s16], [sflag:$0x1], $0x80, $0x38;
	[tilespmem:$0x400] =	vst v63  }
0x7b: {  	_ = 	snop  }
0x7c: {  	[hbm4b:s3+s16] =	stream.linear.scatter @!p1 [tilespmem:s17], [sflag:$0x1], $0x80, $0x38;
	[tilespmem:$0x400] =	vst v63  }
0x7d: {  	_ = 	snop  }
0x7e: {  	[hbm4b:s4+s16] =	stream.linear.scatter @!p1 [tilespmem:s18], [sflag:$0x1], $0x80, $0x38;
	[tilespmem:$0x400] =	vst v63  }
0x7f: {  	_ = 	snop  }
0x80: {  	[hbm4b:s5+s16] =	stream.linear.scatter @!p1 [tilespmem:s19], [sflag:$0x1], $0x80, $0x38;
	[tilespmem:$0x400] =	vst v63  }
0x81: {  	_ = 	snop  }
0x82: {  	[hbm4b:s6+s20] =	stream.linear.scatter @!p0 [tilespmem:s21], [sflag:$0x1], $0x80, $0x38;
	[tilespmem:$0x400] =	vst v63  }
0x83: {  	_ = 	snop  }
0x84: {  	[hbm4b:s7+s20] =	stream.linear.scatter @!p0 [tilespmem:s22], [sflag:$0x1], $0x80, $0x38;
	[tilespmem:$0x400] =	vst v63  }
0x85: {  	_ = 	snop  }
0x86: {  	[hbm4b:s8+s20] =	stream.linear.scatter @!p0 [tilespmem:s23], [sflag:$0x1], $0x80, $0x38;
	[tilespmem:$0x400] =	vst v63  }
0x87: {  	_ =	swait.ge @!p1 [sflag:s24], $0x80  }
0x88: {  	[sflag:s24] =	ssyncset.done @!p1 $0x0  }
0x89: {  	[sflag:s24] =	ssyncadd.s32 @!p1 $0xFFFFFF80  }
0x8a: {  	_ =	swait.ge @!p1 [sflag:s24], $0x80  }
0x8b: {  	[sflag:s24] =	ssyncset.done @!p1 $0x0  }
0x8c: {  	[sflag:s24] =	ssyncadd.s32 @!p1 $0xFFFFFF80  }
0x8d: {  	_ =	swait.ge @!p1 [sflag:s24], $0x80  }
0x8e: {  	[sflag:s24] =	ssyncset.done @!p1 $0x0  }
0x8f: {  	[sflag:s24] =	ssyncadd.s32 @!p1 $0xFFFFFF80  }
0x90: {  	_ =	swait.ge @!p1 [sflag:s24], $0x80  }
0x91: {  	[sflag:s24] =	ssyncset.done @!p1 $0x0  }
0x92: {  	[sflag:s24] =	ssyncadd.s32 @!p1 $0xFFFFFF80  }
0x93: {  	_ =	swait.ge @!p0 [sflag:s25], $0x80  }
0x94: {  	[sflag:s25] =	ssyncset.done @!p0 $0x0  }
0x95: {  	[sflag:s25] =	ssyncadd.s32 @!p0 $0xFFFFFF80  }
.Ltmp2:
0x96: {  	_ =	swait.ge @!p0 [sflag:s25], $0x80;
	(pc) =	sbr.rel @p3 .LBB2_2-.Ltmp2, $4  }
0x97: {  	[sflag:s25] =	ssyncset.done @!p0 $0x0  }
0x98: {  	[sflag:s25] =	ssyncadd.s32 @!p0 $0xFFFFFF80  }
0x99: {  	_ =	swait.ge @!p0 [sflag:s25], $0x80  }
0x9a: {  	[sflag:s25] =	ssyncset.done @!p0 $0x0  }
.LBB2_3:
0x9b: {  	p2 =	por p0, !p2  }
0x9c: {  	s16 =	simm.s32 @!p1 $0x0;
	[sflag:s25] =	ssyncadd.s32 @!p2 $0xFFFFFF80  }
0x9d: {  	[tilespmem:s16], [sflag:$0x1] =	stream.linear.gather @!p1 [hbm4b:s9+s16], $0x80, $0x38;
	[tilespmem:$0x400] =	vst v63  }
0x9e: {  	s9 =	simm.s32 @!p1 $0x80  }
0x9f: {  	[tilespmem:s9], [sflag:$0x1] =	stream.linear.gather @!p1 [hbm4b:s10+s16], $0x80, $0x38;
	[tilespmem:$0x400] =	vst v63  }
0xa0: {  	s10 =	simm.s32 @!p1 $0x100  }
0xa1: {  	[tilespmem:s10], [sflag:$0x1] =	stream.linear.gather @!p1 [hbm4b:s12+s16], $0x80, $0x38;
	[tilespmem:$0x400] =	vst v63  }
0xa2: {  	s12 =	simm.s32 @!p1 $0x180  }
0xa3: {  	[tilespmem:s12], [sflag:$0x1] =	stream.linear.gather @!p1 [hbm4b:s11+s16], $0x80, $0x38;
	[tilespmem:$0x400] =	vst v63  }
0xa4: {  	s17 =	simm.s32 @!p0 $0x200;
	s11 =	simm.s32 @!p0 $0x0  }
0xa5: {  	[tilespmem:s17], [sflag:$0x1] =	stream.linear.gather @!p0 [hbm4b:s14+s11], $0x80, $0x38;
	[tilespmem:$0x400] =	vst v63  }
0xa6: {  	s14 =	simm.s32 @!p0 $0x280  }
0xa7: {  	[tilespmem:s14], [sflag:$0x1] =	stream.linear.gather @!p0 [hbm4b:s15+s11], $0x80, $0x38;
	[tilespmem:$0x400] =	vst v63  }
0xa8: {  	s18 =	simm.s32 @!p1 $0x1;
	s15 =	simm.s32 @!p0 $0x300  }
0xa9: {  	[tilespmem:s15], [sflag:$0x1] =	stream.linear.gather @!p0 [hbm4b:s13+s11], $0x80, $0x38;
	[tilespmem:$0x400] =	vst v63  }
0xaa: {  	_ =	swait.ge @!p1 [sflag:s18], $0x80  }
0xab: {  	[sflag:s18] =	ssyncset.done @!p1 $0x0  }
0xac: {  	[sflag:s18] =	ssyncadd.s32 @!p1 $0xFFFFFF80  }
0xad: {  	_ =	swait.ge @!p1 [sflag:s18], $0x80  }
0xae: {  	[sflag:s18] =	ssyncset.done @!p1 $0x0  }
0xaf: {  	[sflag:s18] =	ssyncadd.s32 @!p1 $0xFFFFFF80  }
0xb0: {  	_ =	swait.ge @!p1 [sflag:s18], $0x80  }
0xb1: {  	[sflag:s18] =	ssyncset.done @!p1 $0x0  }
0xb2: {  	[sflag:s18] =	ssyncadd.s32 @!p1 $0xFFFFFF80  }
0xb3: {  	_ =	swait.ge @!p1 [sflag:s18], $0x80  }
0xb4: {  	[sflag:s18] =	ssyncset.done @!p1 $0x0  }
0xb5: {  	s13 =	simm.s32 @!p0 $0x1;
	[sflag:s18] =	ssyncadd.s32 @!p1 $0xFFFFFF80  }
0xb6: {  	_ =	swait.ge @!p0 [sflag:s13], $0x80  }
0xb7: {  	[sflag:s13] =	ssyncset.done @!p0 $0x0  }
0xb8: {  	[sflag:s13] =	ssyncadd.s32 @!p0 $0xFFFFFF80  }
0xb9: {  	_ =	swait.ge @!p0 [sflag:s13], $0x80  }
0xba: {  	[sflag:s13] =	ssyncset.done @!p0 $0x0  }
0xbb: {  	[sflag:s13] =	ssyncadd.s32 @!p0 $0xFFFFFF80  }
0xbc: {  	_ =	swait.ge @!p0 [sflag:s13], $0x80  }
0xbd: {  	[sflag:s13] =	ssyncset.done @!p0 $0x0  }
0xbe: {  	[sflag:s13] =	ssyncadd.s32 @!p0 $0xFFFFFF80  }
0xbf: {  	[hbm4b:s2+s16] =	stream.linear.scatter @!p1 [tilespmem:s16], [sflag:$0x1], $0x80, $0x38;
	[tilespmem:$0x400] =	vst v63  }
0xc0: {  	_ = 	snop  }
0xc1: {  	[hbm4b:s3+s16] =	stream.linear.scatter @!p1 [tilespmem:s9], [sflag:$0x1], $0x80, $0x38;
	[tilespmem:$0x400] =	vst v63  }
0xc2: {  	_ = 	snop  }
0xc3: {  	[hbm4b:s4+s16] =	stream.linear.scatter @!p1 [tilespmem:s10], [sflag:$0x1], $0x80, $0x38;
	[tilespmem:$0x400] =	vst v63  }
0xc4: {  	_ = 	snop  }
0xc5: {  	[hbm4b:s5+s16] =	stream.linear.scatter @!p1 [tilespmem:s12], [sflag:$0x1], $0x80, $0x38;
	[tilespmem:$0x400] =	vst v63  }
0xc6: {  	_ = 	snop  }
0xc7: {  	[hbm4b:s6+s11] =	stream.linear.scatter @!p0 [tilespmem:s17], [sflag:$0x1], $0x80, $0x38;
	[tilespmem:$0x400] =	vst v63  }
0xc8: {  	_ = 	snop  }
0xc9: {  	[hbm4b:s7+s11] =	stream.linear.scatter @!p0 [tilespmem:s14], [sflag:$0x1], $0x80, $0x38;
	[tilespmem:$0x400] =	vst v63  }
0xca: {  	_ = 	snop  }
0xcb: {  	[hbm4b:s8+s11] =	stream.linear.scatter @!p0 [tilespmem:s15], [sflag:$0x1], $0x80, $0x38;
	[tilespmem:$0x400] =	vst v63  }
0xcc: {  	_ =	swait.ge @!p1 [sflag:s18], $0x80  }
0xcd: {  	[sflag:s18] =	ssyncset.done @!p1 $0x0  }
0xce: {  	[sflag:s18] =	ssyncadd.s32 @!p1 $0xFFFFFF80  }
0xcf: {  	_ =	swait.ge @!p1 [sflag:s18], $0x80  }
0xd0: {  	[sflag:s18] =	ssyncset.done @!p1 $0x0  }
0xd1: {  	[sflag:s18] =	ssyncadd.s32 @!p1 $0xFFFFFF80  }
0xd2: {  	_ =	swait.ge @!p1 [sflag:s18], $0x80  }
0xd3: {  	[sflag:s18] =	ssyncset.done @!p1 $0x0  }
0xd4: {  	[sflag:s18] =	ssyncadd.s32 @!p1 $0xFFFFFF80  }
0xd5: {  	_ =	swait.ge @!p1 [sflag:s18], $0x80  }
0xd6: {  	[sflag:s18] =	ssyncset.done @!p1 $0x0  }
0xd7: {  	[sflag:s18] =	ssyncadd.s32 @!p1 $0xFFFFFF80  }
0xd8: {  	_ =	swait.ge @!p0 [sflag:s13], $0x80  }
0xd9: {  	[sflag:s13] =	ssyncset.done @!p0 $0x0  }
0xda: {  	[sflag:s13] =	ssyncadd.s32 @!p0 $0xFFFFFF80  }
0xdb: {  	_ =	swait.ge @!p0 [sflag:s13], $0x80  }
0xdc: {  	[sflag:s13] =	ssyncset.done @!p0 $0x0  }
0xdd: {  	[sflag:s13] =	ssyncadd.s32 @!p0 $0xFFFFFF80  }
0xde: {  	_ =	swait.ge @!p0 [sflag:s13], $0x80  }
0xdf: {  	[sflag:s13] =	ssyncset.done @!p0 $0x0  }
0xe0: {  	[sflag:s13] =	ssyncadd.s32 @!p0 $0xFFFFFF80  }
0xe1: {  	_ =	sfence.sel $0x180000  }
0xe2: {  	[bflag:$0x0] =	sbarrier.arrive $0xFFFF  }
0xe3: {  	p0 =	sne.s32 s0, $0x0;
	_ =	strace $0x90000047  }
0xe4: {  	s0 =	sadd.s32 @!p0 $0x100000, s1;
	[bflag:$0x2] =	sbarrier.arrive $0xFFFF  }
0xe5: {  	[sflag:s0] =	ssyncadd.tile.s32 @!p0 $0x1;
	_ =	shalt  }
.Lfunc_end2:
_tile_overlayer_lowered:
.L_overlay_start_2:
0xe6: {  	(tag) =	ssettag $0x2  }
0xe7: {  	s0 =	rddreg [dreg:$0x0];
	s2 =	stileid.u32  }
0xe8: {  	s1 =	rddreg [dreg:$0x1];
	p0 =	sne.s32 s2, $0x0  }
0xe9: {  	s3 =	rddreg [dreg:$0x2];
	[bflag:$0x3] =	sbarrier.arrive $0xFFFF;
	s2 =	simm.s32 @!p0 $0x1C02  }
0xea: {  	[timem:s3], [sflag:s2] =	dma.local @!p0 [hbm:s0], s1  }
0xeb: {  	s0 =	simm.s32 @!p0 $0x2  }
0xec: {  	_ =	swait.ge @!p0 [sflag:s0], s1  }
0xed: {  	s1 =	ssub.s32 @!p0 $0x0, s1;
	[sflag:s0] =	ssyncset.done @!p0 $0x0  }
0xee: {  	[sflag:s0] =	ssyncadd.s32 @!p0 s1  }
0xef: {  	[bflag:$0x3] =	sbarrier.arrive $0xFFFF  }
0xf0: {  	_ =	shalt  }

</sc_bundles>
